<compile_context>
chip_gen: v7x
topology: tpu7x:2x2x1
jax: 0.10.2.dev20260603
libtpu: 0.0.44.dev20260713+nightly
codegen_flags: <defaults>
</compile_context>

<pallas_src>
import functools

import jax
import jax.numpy as jnp
from jax import lax
from jax.experimental import pallas as pl
from jax.experimental.pallas import tpu as pltpu
from jax.experimental.pallas import tpu_sc as plsc

_N = 10000
_E = 320000
_D = 128
_H = 128
_C = 10
_EPS = 1e-5

_NC = 2
_NS = 16
_NW = _NC * _NS

_CH = 128
_CHUNKS = 79
_EW = _CH * _CHUNKS
_EPAD = _NW * _EW
_NPAD = 10240
_RPT = _NPAD // _NS


def _mesh():
    return plsc.VectorSubcoreMesh(core_axis_name="c", subcore_axis_name="s")




@functools.partial(
    pl.kernel,
    mesh=_mesh(),
    out_type=jax.ShapeDtypeStruct((_NC, _NPAD, 16), jnp.float32),
    scratch_types=[
        pltpu.VMEM((_CH, 16), jnp.float32),
        pltpu.VMEM((1, _CH), jnp.int32),
        pltpu.VMEM_SHARED((_NPAD, 16), jnp.float32),
    ],
)
def _deg_kernel(dst_hbm, out_hbm, onesb, dstb, acc):
    c = lax.axis_index("c")
    s = lax.axis_index("s")
    wid = s * _NC + c

    def _fill(val):
        def b(i, _):
            onesb[i] = jnp.full((16,), val, jnp.float32)
            return 0
        lax.fori_loop(0, _CH, b, 0)

    _fill(0.0)
    r0 = s * _RPT

    def zb(k, _):
        pltpu.sync_copy(onesb, acc.at[pl.ds(r0 + k * _CH, _CH)])
        return 0

    lax.fori_loop(0, _RPT // _CH, zb, 0)
    _fill(1.0)
    plsc.subcore_barrier()

    ebase = wid * _EW

    def body(j, _):
        pltpu.sync_copy(dst_hbm.at[pl.ds(ebase + j * _CH, _CH)], dstb.at[0])
        pltpu.sync_copy(onesb, acc.at[dstb.at[0]], add=True)
        return 0

    lax.fori_loop(0, _CHUNKS, body, 0)
    plsc.subcore_barrier()
    pltpu.sync_copy(acc.at[pl.ds(r0, _RPT)], out_hbm.at[c, pl.ds(r0, _RPT)])


@functools.partial(
    pl.kernel,
    mesh=_mesh(),
    out_type=jax.ShapeDtypeStruct((_NC, _NPAD, _D), jnp.float32),
    scratch_types=[
        pltpu.VMEM((_CH, _D), jnp.float32),
        pltpu.VMEM((1, _CH), jnp.int32),
        pltpu.VMEM((1, _CH), jnp.int32),
        pltpu.VMEM_SHARED((_NPAD, _D), jnp.float32),
        pltpu.SemaphoreType.DMA,
    ],
)
def _scatter_kernel(y_hbm, src_hbm, dst_hbm, out_hbm, rows, srcb, dstb, acc, sem):
    c = lax.axis_index("c")
    s = lax.axis_index("s")
    wid = s * _NC + c

    def zr(i, _):
        r = i // (_D // 16)
        k = i % (_D // 16)
        rows[r, pl.ds(k * 16, 16)] = jnp.zeros((16,), jnp.float32)
        return 0

    lax.fori_loop(0, _CH * (_D // 16), zr, 0)
    r0 = s * _RPT

    def zb(k, _):
        pltpu.sync_copy(rows, acc.at[pl.ds(r0 + k * _CH, _CH)])
        return 0

    lax.fori_loop(0, _RPT // _CH, zb, 0)
    plsc.subcore_barrier()

    ebase = wid * _EW

    def body(j, _):
        off = ebase + j * _CH
        pltpu.sync_copy(src_hbm.at[pl.ds(off, _CH)], srcb.at[0])
        pltpu.sync_copy(dst_hbm.at[pl.ds(off, _CH)], dstb.at[0])
        pltpu.async_copy(y_hbm.at[srcb.at[0]], rows, sem).wait()
        pltpu.sync_copy(rows, acc.at[dstb.at[0]], add=True)
        return 0

    lax.fori_loop(0, _CHUNKS, body, 0)
    plsc.subcore_barrier()
    pltpu.sync_copy(acc.at[pl.ds(r0, _RPT)], out_hbm.at[c, pl.ds(r0, _RPT)])




def _dinv_from(dp):
    deg = dp[0, 0:_N, 0:1] + dp[1, 0:_N, 0:1] + 1.0
    return lax.rsqrt(deg)


def _tc_first(degp, x, w):
    def body(degp_ref, x_ref, w_ref, y_ref):
        dinv = _dinv_from(degp_ref[...])
        xw = jnp.dot(x_ref[...], w_ref[...], preferred_element_type=jnp.float32)
        y_ref[...] = xw * dinv

    return pl.pallas_call(
        body, out_shape=jax.ShapeDtypeStruct((_N, _D), jnp.float32)
    )(degp, x, w)


def _tc_mid(degp, p, y, b, g, be, w):
    def body(degp_ref, p_ref, y_ref, b_ref, g_ref, be_ref, w_ref, out_ref):
        dinv = _dinv_from(degp_ref[...])
        pv = p_ref[...]
        t = (pv[0, 0:_N, :] + pv[1, 0:_N, :] + y_ref[...]) * dinv + b_ref[...]
        t = jnp.maximum(t, 0.0)
        m = jnp.mean(t, axis=0, keepdims=True)
        v = jnp.mean((t - m) * (t - m), axis=0, keepdims=True)
        h = g_ref[...] * (t - m) * lax.rsqrt(v + _EPS) + be_ref[...]
        out_ref[...] = (
            jnp.dot(h, w_ref[...], preferred_element_type=jnp.float32) * dinv
        )

    return pl.pallas_call(
        body, out_shape=jax.ShapeDtypeStruct((_N, _D), jnp.float32)
    )(degp, p, y, b, g, be, w)


def _tc_last(degp, p, y, b, g, be, wlin, blin):
    def body(degp_ref, p_ref, y_ref, b_ref, g_ref, be_ref, w_ref, bl_ref, out_ref):
        dinv = _dinv_from(degp_ref[...])
        pv = p_ref[...]
        t = (pv[0, 0:_N, :] + pv[1, 0:_N, :] + y_ref[...]) * dinv + b_ref[...]
        t = jnp.maximum(t, 0.0)
        m = jnp.mean(t, axis=0, keepdims=True)
        v = jnp.mean((t - m) * (t - m), axis=0, keepdims=True)
        h = g_ref[...] * (t - m) * lax.rsqrt(v + _EPS) + be_ref[...]
        out_ref[...] = (
            jnp.dot(h, w_ref[...], preferred_element_type=jnp.float32) + bl_ref[...]
        )

    return pl.pallas_call(
        body, out_shape=jax.ShapeDtypeStruct((_N, _D), jnp.float32)
    )(degp, p, y, b, g, be, wlin, blin)




def kernel(x, edge_index, W1, b1, W2, b2, W3, b3, g1, be1, g2, be2, g3, be3,
           Wlin, blin):
    src = edge_index[0].astype(jnp.int32)
    dst = edge_index[1].astype(jnp.int32)
    pad = _EPAD - _E
    srcp = jnp.concatenate([src, jnp.zeros((pad,), jnp.int32)])
    dstp = jnp.concatenate([dst, jnp.full((pad,), _N, jnp.int32)])

    degp = _deg_kernel(dstp)

    b1r, g1r, be1r = b1.reshape(1, _H), g1.reshape(1, _H), be1.reshape(1, _H)
    b2r, g2r, be2r = b2.reshape(1, _H), g2.reshape(1, _H), be2.reshape(1, _H)
    b3r, g3r, be3r = b3.reshape(1, _H), g3.reshape(1, _H), be3.reshape(1, _H)
    wlinp = jnp.zeros((_H, _D), jnp.float32).at[:, :_C].set(Wlin)
    blinp = jnp.zeros((1, _D), jnp.float32).at[0, :_C].set(blin)

    y1 = _tc_first(degp, x, W1)
    p1 = _scatter_kernel(y1, srcp, dstp)
    y2 = _tc_mid(degp, p1, y1, b1r, g1r, be1r, W2)
    p2 = _scatter_kernel(y2, srcp, dstp)
    y3 = _tc_mid(degp, p2, y2, b2r, g2r, be2r, W3)
    p3 = _scatter_kernel(y3, srcp, dstp)
    out = _tc_last(degp, p3, y3, b3r, g3r, be3r, wlinp, blinp)
    return out[:, :_C]

# --- scband reference (transcript-rebuilt; emitter-appended) ---
"""Pipeline reference for scband-gcn3-16226386444397 (READ-ONLY COPY).

The authoritative reference and input builder live on the scoring server;
editing this copy changes nothing except your own understanding.
"""

import jax, jax.numpy as jnp
import numpy as np

N = 10000
E = 320000
D = 128
H = 128
C = 10
EPS = 1e-5


def setup_inputs(seed: int = 0) -> dict:
    key = jax.random.key(seed)
    ks = jax.random.split(key, 16)
    inp = {}
    inp["x"] = jax.random.normal(ks[0], (N, D), dtype=jnp.float32)
    inp["edge_index"] = jax.random.randint(ks[1], (2, E), 0, N)
    # GCNConv layer params (lin weight + bias), scaled like glorot-ish init
    inp["W1"] = jax.random.normal(ks[2], (D, H), dtype=jnp.float32) * 0.05
    inp["b1"] = jnp.zeros((H,), dtype=jnp.float32)
    inp["W2"] = jax.random.normal(ks[3], (H, H), dtype=jnp.float32) * 0.05
    inp["b2"] = jnp.zeros((H,), dtype=jnp.float32)
    inp["W3"] = jax.random.normal(ks[4], (H, H), dtype=jnp.float32) * 0.05
    inp["b3"] = jnp.zeros((H,), dtype=jnp.float32)
    # BatchNorm affine params
    inp["g1"] = jnp.ones((H,), dtype=jnp.float32)
    inp["be1"] = jnp.zeros((H,), dtype=jnp.float32)
    inp["g2"] = jnp.ones((H,), dtype=jnp.float32)
    inp["be2"] = jnp.zeros((H,), dtype=jnp.float32)
    inp["g3"] = jnp.ones((H,), dtype=jnp.float32)
    inp["be3"] = jnp.zeros((H,), dtype=jnp.float32)
    # final linear
    inp["Wlin"] = jax.random.normal(ks[5], (H, C), dtype=jnp.float32) * 0.05
    inp["blin"] = jnp.zeros((C,), dtype=jnp.float32)
    return inp


def gcn_conv(x, W, b, src, dst, n):
    # PyG GCNConv: transform, add self-loops, symmetric normalization, scatter-add to dst
    x = x @ W
    loop = jnp.arange(n, dtype=src.dtype)
    s = jnp.concatenate([src, loop])
    d = jnp.concatenate([dst, loop])
    w = jnp.ones(s.shape[0], dtype=x.dtype)  # edge_weights default to ones
    deg = jax.ops.segment_sum(w, d, num_segments=n)
    dinv = jnp.where(deg > 0, jax.lax.rsqrt(deg), 0.0)
    norm = dinv[s] * w * dinv[d]
    msg = x[s] * norm[:, None]
    out = jax.ops.segment_sum(msg, d, num_segments=n)
    return out + b


def batch_norm(x, g, be):
    m = jnp.mean(x, axis=0)
    v = jnp.var(x, axis=0)
    return g * (x - m) / jnp.sqrt(v + EPS) + be


def reference(x, edge_index, W1, b1, W2, b2, W3, b3, g1, be1, g2, be2, g3, be3, Wlin, blin):
    src = edge_index[0]
    dst = edge_index[1]
    h = batch_norm(jax.nn.relu(gcn_conv(x, W1, b1, src, dst, N)), g1, be1)
    h = batch_norm(jax.nn.relu(gcn_conv(h, W2, b2, src, dst, N)), g2, be2)
    h = batch_norm(jax.nn.relu(gcn_conv(h, W3, b3, src, dst, N)), g3, be3)
    return h @ Wlin + blin

if __name__ == "__main__":
    import jax
    _d = setup_inputs()
    print(jax.jit(kernel)(*tuple(_d.values())))

</pallas_src>

<mosaic_0001>
#map = affine_map<(d0, d1) -> (0, 0)>
#map1 = affine_map<(d0, d1) -> (0)>
#map2 = affine_map<(d0, d1) -> (0, 0, 0)>
module attributes {stable_mosaic.version = 14 : i64} {
  func.func @_scatter_kernel(%arg0: i32, %arg1: i32, %arg2: memref<10000x128xf32, #tpu.memory_space<hbm>>, %arg3: memref<323584xi32, #tpu.memory_space<hbm>>, %arg4: memref<323584xi32, #tpu.memory_space<hbm>>, %arg5: memref<2x10240x128xf32, #tpu.memory_space<hbm>>, %arg6: memref<128x128xf32, #tpu.memory_space<vmem>>, %arg7: memref<1x128xi32, #tpu.memory_space<vmem>>, %arg8: memref<1x128xi32, #tpu.memory_space<vmem>>, %arg9: memref<10240x128xf32, #tpu.memory_space<vmem_shared>>, %arg10: memref<!tpu.dma_semaphore, #tpu.memory_space<semaphore_mem>>) attributes {dimension_semantics = [#tpu.dimension_semantics<core_parallel>, #tpu.dimension_semantics<subcore_parallel>], iteration_bounds = array<i64: 2, 16>, scalar_prefetch = 0 : i64, scratch_operands = 5 : i64, tpu.core_type = #tpu.core_type<sc_vector_subcore>, window_params = [{transform_indices = #map}, {transform_indices = #map1}, {transform_indices = #map1}, {transform_indices = #map2}]} {
    %mul3A = arith.constant 2 : i32
    %mul3A_0 = arith.muli %arg1, %mul3A : i32
    %add3A = arith.addi %mul3A_0, %arg0 : i32
    %scan3A = arith.constant 0 : i32
    %scan3A_1 = arith.constant 0 : i32
    %scan3A_2 = arith.constant 1024 : i32
    %scan3A_3 = arith.addi %scan3A_1, %scan3A_2 : i32
    %scan3A_4 = arith.constant 1 : i32
    %scan3A_5 = scf.for %scan3A_26 = %scan3A_1 to %scan3A_3 step %scan3A_4 iter_args(%scan3A_27 = %scan3A) -> (i32)  : i32 {
      %jit3A = arith.constant 8 : i32
      %div3A = arith.divsi %scan3A_26, %jit3A : i32
      %sign3A = arith.constant 0 : i32
      %sign3A_28 = arith.cmpi sgt, %scan3A_26, %sign3A : i32
      %sign3A_29 = arith.extui %sign3A_28 : i1 to i32
      %sign3A_30 = arith.constant 0 : i32
      %sign3A_31 = arith.cmpi slt, %scan3A_26, %sign3A_30 : i32
      %sign3A_32 = arith.extui %sign3A_31 : i1 to i32
      %sign3A_33 = arith.subi %sign3A_29, %sign3A_32 : i32
      %sign3A_34 = arith.constant 0 : i32
      %sign3A_35 = arith.cmpi sgt, %jit3A, %sign3A_34 : i32
      %sign3A_36 = arith.extui %sign3A_35 : i1 to i32
      %sign3A_37 = arith.constant 0 : i32
      %sign3A_38 = arith.cmpi slt, %jit3A, %sign3A_37 : i32
      %sign3A_39 = arith.extui %sign3A_38 : i1 to i32
      %sign3A_40 = arith.subi %sign3A_36, %sign3A_39 : i32
      %ne3A = arith.cmpi ne, %sign3A_33, %sign3A_40 : i32
      %rem3A = arith.remsi %scan3A_26, %jit3A : i32
      %ne3A_41 = arith.constant 0 : i32
      %ne3A_42 = arith.cmpi ne, %rem3A, %ne3A_41 : i32
      %and3A = arith.andi %ne3A, %ne3A_42 : i1
      %sub3A = arith.constant 1 : i32
      %sub3A_43 = arith.subi %div3A, %sub3A : i32
      %select_n3A = arith.select %and3A, %sub3A_43, %div3A : i32
      %jit3A_44 = arith.constant 8 : i32
      %eq3A = arith.constant 0 : i32
      %eq3A_45 = arith.cmpi eq, %jit3A_44, %eq3A : i32
      %jit3A_46 = arith.constant 1 : i32
      %select_n3A_47 = arith.select %eq3A_45, %jit3A_46, %jit3A_44 : i32
      %rem3A_48 = arith.remsi %scan3A_26, %select_n3A_47 : i32
      %ne3A_49 = arith.constant 0 : i32
      %ne3A_50 = arith.cmpi ne, %rem3A_48, %ne3A_49 : i32
      %lt3A = arith.constant 0 : i32
      %lt3A_51 = arith.cmpi slt, %rem3A_48, %lt3A : i32
      %lt3A_52 = arith.constant 0 : i32
      %lt3A_53 = arith.cmpi slt, %select_n3A_47, %lt3A_52 : i32
      %ne3A_54 = arith.xori %lt3A_51, %lt3A_53 : i1
      %and3A_55 = arith.andi %ne3A_54, %ne3A_50 : i1
      %add3A_56 = arith.addi %rem3A_48, %select_n3A_47 : i32
      %select_n3A_57 = arith.select %and3A_55, %add3A_56, %rem3A_48 : i32
      %broadcast_in_dim3A = arith.constant 0.000000e+00 : f32
      %broadcast_in_dim3A_58 = vector.broadcast %broadcast_in_dim3A : f32 to vector<16xf32>
      %mul3A_59 = arith.constant 16 : i32
      %mul3A_60 = arith.muli %select_n3A_57, %mul3A_59 : i32
      %swap3A = arith.index_cast %select_n3A : i32 to index
      %swap3A_61 = arith.index_cast %mul3A_60 : i32 to index
      %swap3A_62 = tpu.vector_load %arg6[%swap3A, %swap3A_61] {strides = array<i32>} : memref<128x128xf32, #tpu.memory_space<vmem>>, vector<1x16xf32>,
      %swap3A_63 = vector.shape_cast %swap3A_62 : vector<1x16xf32> to vector<16xf32>
      %swap3A_64 = vector.shape_cast %broadcast_in_dim3A_58 : vector<16xf32> to vector<1x16xf32>
      tpu.vector_store %arg6[%swap3A, %swap3A_61], %swap3A_64 {strides = array<i32>} : memref<128x128xf32, #tpu.memory_space<vmem>>, vector<1x16xf32>,
      %scan3A_65 = arith.constant 0 : i32
      scf.yield %scan3A_65 : i32
    }
    %scan3A_6 = arith.constant 1024 : i32
    %mul3A_7 = arith.constant 640 : i32
    %mul3A_8 = arith.muli %arg1, %mul3A_7 : i32
    %scan3A_9 = arith.constant 0 : i32
    %scan3A_10 = arith.constant 0 : i32
    %scan3A_11 = arith.constant 5 : i32
    %scan3A_12 = arith.addi %scan3A_10, %scan3A_11 : i32
    %scan3A_13 = arith.constant 1 : i32
    %scan3A_14 = scf.for %scan3A_26 = %scan3A_10 to %scan3A_12 step %scan3A_13 iter_args(%scan3A_27 = %scan3A_9) -> (i32)  : i32 {
      %mul3A_28 = arith.constant 128 : i32
      %mul3A_29 = arith.muli %scan3A_26, %mul3A_28 : i32
      %add3A_30 = arith.addi %mul3A_8, %mul3A_29 : i32
      "tpu.region"() ({
        %run_scoped3A = tpu.sem_alloc : memref<!tpu.dma_semaphore, #tpu.memory_space<semaphore_mem>>
        %dma_start3A = arith.constant 0 : i32
        %dma_start3A_32 = tpu.memref_slice %arg9[%add3A_30, %dma_start3A] : memref<10240x128xf32, #tpu.memory_space<vmem_shared>> -> memref<128x128xf32, #tpu.memory_space<vmem_shared>>
        %dma_start3A_33 = arith.constant 0 : i32
        %dma_start3A_34 = tpu.memref_slice %arg9[%add3A_30, %dma_start3A_33] : memref<10240x128xf32, #tpu.memory_space<vmem_shared>> -> memref<128x128xf32, #tpu.memory_space<vmem_shared>>
        tpu.enqueue_dma source(%arg6 : memref<128x128xf32, #tpu.memory_space<vmem>>) target(%dma_start3A_34 : memref<128x128xf32, #tpu.memory_space<vmem_shared>>) target_semaphore(%run_scoped3A : memref<!tpu.dma_semaphore, #tpu.memory_space<semaphore_mem>>)
        %dma_wait3A = arith.constant 0 : i32
        %dma_wait3A_35 = tpu.memref_slice %arg9[%add3A_30, %dma_wait3A] : memref<10240x128xf32, #tpu.memory_space<vmem_shared>> -> memref<128x128xf32, #tpu.memory_space<vmem_shared>>
        %dma_wait3A_36 = arith.constant 0 : i32
        %dma_wait3A_37 = tpu.memref_slice %arg9[%add3A_30, %dma_wait3A_36] : memref<10240x128xf32, #tpu.memory_space<vmem_shared>> -> memref<128x128xf32, #tpu.memory_space<vmem_shared>>
        tpu.wait_dma2 semaphore(%run_scoped3A : memref<!tpu.dma_semaphore, #tpu.memory_space<semaphore_mem>>) src(%arg6 : memref<128x128xf32, #tpu.memory_space<vmem>>) dst(%dma_wait3A_37 : memref<128x128xf32, #tpu.memory_space<vmem_shared>>)
        tpu.yield
      }) : () -> ()
      %scan3A_31 = arith.constant 0 : i32
      scf.yield %scan3A_31 : i32
    }
    %scan3A_15 = arith.constant 5 : i32
    %barrier3A = arith.constant 0 : index
    tpu.barrier barrier_id(%barrier3A)
    %mul3A_16 = arith.constant 10112 : i32
    %mul3A_17 = arith.muli %add3A, %mul3A_16 : i32
    %scan3A_18 = arith.constant 0 : i32
    %scan3A_19 = arith.constant 0 : i32
    %scan3A_20 = arith.constant 79 : i32
    %scan3A_21 = arith.addi %scan3A_19, %scan3A_20 : i32
    %scan3A_22 = arith.constant 1 : i32
    %scan3A_23 = scf.for %scan3A_26 = %scan3A_19 to %scan3A_21 step %scan3A_22 iter_args(%scan3A_27 = %scan3A_18) -> (i32)  : i32 {
      %mul3A_28 = arith.constant 128 : i32
      %mul3A_29 = arith.muli %scan3A_26, %mul3A_28 : i32
      %add3A_30 = arith.addi %mul3A_17, %mul3A_29 : i32
      %run_scoped3A = arith.constant 0 : i32
      "tpu.region"() ({
        %run_scoped3A_46 = tpu.sem_alloc : memref<!tpu.dma_semaphore, #tpu.memory_space<semaphore_mem>>
        %dma_start3A_47 = arith.constant 0 : i32
        %dma_start3A_48 = tpu.memref_slice %arg7[%run_scoped3A, %dma_start3A_47] : memref<1x128xi32, #tpu.memory_space<vmem>> -> memref<1x128xi32, #tpu.memory_space<vmem>>
        %dma_start3A_49 = tpu.memref_squeeze %dma_start3A_48 : memref<1x128xi32, #tpu.memory_space<vmem>> -> memref<128xi32, #tpu.memory_space<vmem>>
        %dma_start3A_50 = tpu.memref_slice %arg3[%add3A_30] : memref<323584xi32, #tpu.memory_space<hbm>> -> memref<128xi32, #tpu.memory_space<hbm>>
        %dma_start3A_51 = arith.constant 0 : i32
        %dma_start3A_52 = tpu.memref_slice %arg7[%run_scoped3A, %dma_start3A_51] : memref<1x128xi32, #tpu.memory_space<vmem>> -> memref<1x128xi32, #tpu.memory_space<vmem>>
        %dma_start3A_53 = tpu.memref_squeeze %dma_start3A_52 : memref<1x128xi32, #tpu.memory_space<vmem>> -> memref<128xi32, #tpu.memory_space<vmem>>
        %dma_start3A_54 = tpu.memref_slice %arg3[%add3A_30] : memref<323584xi32, #tpu.memory_space<hbm>> -> memref<128xi32, #tpu.memory_space<hbm>>
        tpu.enqueue_dma source(%dma_start3A_54 : memref<128xi32, #tpu.memory_space<hbm>>) target(%dma_start3A_53 : memref<128xi32, #tpu.memory_space<vmem>>) target_semaphore(%run_scoped3A_46 : memref<!tpu.dma_semaphore, #tpu.memory_space<semaphore_mem>>)
        %dma_wait3A_55 = arith.constant 0 : i32
        %dma_wait3A_56 = tpu.memref_slice %arg7[%run_scoped3A, %dma_wait3A_55] : memref<1x128xi32, #tpu.memory_space<vmem>> -> memref<1x128xi32, #tpu.memory_space<vmem>>
        %dma_wait3A_57 = tpu.memref_squeeze %dma_wait3A_56 : memref<1x128xi32, #tpu.memory_space<vmem>> -> memref<128xi32, #tpu.memory_space<vmem>>
        %dma_wait3A_58 = tpu.memref_slice %arg3[%add3A_30] : memref<323584xi32, #tpu.memory_space<hbm>> -> memref<128xi32, #tpu.memory_space<hbm>>
        %dma_wait3A_59 = arith.constant 0 : i32
        %dma_wait3A_60 = tpu.memref_slice %arg7[%run_scoped3A, %dma_wait3A_59] : memref<1x128xi32, #tpu.memory_space<vmem>> -> memref<1x128xi32, #tpu.memory_space<vmem>>
        %dma_wait3A_61 = tpu.memref_squeeze %dma_wait3A_60 : memref<1x128xi32, #tpu.memory_space<vmem>> -> memref<128xi32, #tpu.memory_space<vmem>>
        %dma_wait3A_62 = tpu.memref_slice %arg3[%add3A_30] : memref<323584xi32, #tpu.memory_space<hbm>> -> memref<128xi32, #tpu.memory_space<hbm>>
        tpu.wait_dma2 semaphore(%run_scoped3A_46 : memref<!tpu.dma_semaphore, #tpu.memory_space<semaphore_mem>>) src(%dma_wait3A_62 : memref<128xi32, #tpu.memory_space<hbm>>) dst(%dma_wait3A_61 : memref<128xi32, #tpu.memory_space<vmem>>)
        tpu.yield
      }) : () -> ()
      %run_scoped3A_31 = arith.constant 0 : i32
      "tpu.region"() ({
        %run_scoped3A_46 = tpu.sem_alloc : memref<!tpu.dma_semaphore, #tpu.memory_space<semaphore_mem>>
        %dma_start3A_47 = arith.constant 0 : i32
        %dma_start3A_48 = tpu.memref_slice %arg8[%run_scoped3A_31, %dma_start3A_47] : memref<1x128xi32, #tpu.memory_space<vmem>> -> memref<1x128xi32, #tpu.memory_space<vmem>>
        %dma_start3A_49 = tpu.memref_squeeze %dma_start3A_48 : memref<1x128xi32, #tpu.memory_space<vmem>> -> memref<128xi32, #tpu.memory_space<vmem>>
        %dma_start3A_50 = tpu.memref_slice %arg4[%add3A_30] : memref<323584xi32, #tpu.memory_space<hbm>> -> memref<128xi32, #tpu.memory_space<hbm>>
        %dma_start3A_51 = arith.constant 0 : i32
        %dma_start3A_52 = tpu.memref_slice %arg8[%run_scoped3A_31, %dma_start3A_51] : memref<1x128xi32, #tpu.memory_space<vmem>> -> memref<1x128xi32, #tpu.memory_space<vmem>>
        %dma_start3A_53 = tpu.memref_squeeze %dma_start3A_52 : memref<1x128xi32, #tpu.memory_space<vmem>> -> memref<128xi32, #tpu.memory_space<vmem>>
        %dma_start3A_54 = tpu.memref_slice %arg4[%add3A_30] : memref<323584xi32, #tpu.memory_space<hbm>> -> memref<128xi32, #tpu.memory_space<hbm>>
        tpu.enqueue_dma source(%dma_start3A_54 : memref<128xi32, #tpu.memory_space<hbm>>) target(%dma_start3A_53 : memref<128xi32, #tpu.memory_space<vmem>>) target_semaphore(%run_scoped3A_46 : memref<!tpu.dma_semaphore, #tpu.memory_space<semaphore_mem>>)
        %dma_wait3A_55 = arith.constant 0 : i32
        %dma_wait3A_56 = tpu.memref_slice %arg8[%run_scoped3A_31, %dma_wait3A_55] : memref<1x128xi32, #tpu.memory_space<vmem>> -> memref<1x128xi32, #tpu.memory_space<vmem>>
        %dma_wait3A_57 = tpu.memref_squeeze %dma_wait3A_56 : memref<1x128xi32, #tpu.memory_space<vmem>> -> memref<128xi32, #tpu.memory_space<vmem>>
        %dma_wait3A_58 = tpu.memref_slice %arg4[%add3A_30] : memref<323584xi32, #tpu.memory_space<hbm>> -> memref<128xi32, #tpu.memory_space<hbm>>
        %dma_wait3A_59 = arith.constant 0 : i32
        %dma_wait3A_60 = tpu.memref_slice %arg8[%run_scoped3A_31, %dma_wait3A_59] : memref<1x128xi32, #tpu.memory_space<vmem>> -> memref<1x128xi32, #tpu.memory_space<vmem>>
        %dma_wait3A_61 = tpu.memref_squeeze %dma_wait3A_60 : memref<1x128xi32, #tpu.memory_space<vmem>> -> memref<128xi32, #tpu.memory_space<vmem>>
        %dma_wait3A_62 = tpu.memref_slice %arg4[%add3A_30] : memref<323584xi32, #tpu.memory_space<hbm>> -> memref<128xi32, #tpu.memory_space<hbm>>
        tpu.wait_dma2 semaphore(%run_scoped3A_46 : memref<!tpu.dma_semaphore, #tpu.memory_space<semaphore_mem>>) src(%dma_wait3A_62 : memref<128xi32, #tpu.memory_space<hbm>>) dst(%dma_wait3A_61 : memref<128xi32, #tpu.memory_space<vmem>>)
        tpu.yield
      }) : () -> ()
      %dma_start3A = arith.constant 0 : i32
      %dma_start3A_32 = arith.constant 0 : i32
      %dma_start3A_33 = tpu.memref_slice %arg7[%dma_start3A, %dma_start3A_32] : memref<1x128xi32, #tpu.memory_space<vmem>> -> memref<1x128xi32, #tpu.memory_space<vmem>>
      %dma_start3A_34 = tpu.memref_squeeze %dma_start3A_33 : memref<1x128xi32, #tpu.memory_space<vmem>> -> memref<128xi32, #tpu.memory_space<vmem>>
      %dma_start3A_35 = arith.constant 0 : i32
      %dma_start3A_36 = arith.constant 0 : i32
      %dma_start3A_37 = tpu.memref_slice %arg2[%dma_start3A_35, %dma_start3A_36] : memref<10000x128xf32, #tpu.memory_space<hbm>> -> memref<10000x128xf32, #tpu.memory_space<hbm>>
      tpu.enqueue_indirect_dma source(%dma_start3A_37 : memref<10000x128xf32, #tpu.memory_space<hbm>>) target(%arg6 : memref<128x128xf32, #tpu.memory_space<vmem>>) offsets(%dma_start3A_34 : memref<128xi32, #tpu.memory_space<vmem>>) semaphore(%arg10 : memref<!tpu.dma_semaphore, #tpu.memory_space<semaphore_mem>>)
      %dma_wait3A = arith.constant 0 : i32
      %dma_wait3A_38 = arith.constant 0 : i32
      %dma_wait3A_39 = tpu.memref_slice %arg7[%dma_wait3A, %dma_wait3A_38] : memref<1x128xi32, #tpu.memory_space<vmem>> -> memref<1x128xi32, #tpu.memory_space<vmem>>
      %dma_wait3A_40 = tpu.memref_squeeze %dma_wait3A_39 : memref<1x128xi32, #tpu.memory_space<vmem>> -> memref<128xi32, #tpu.memory_space<vmem>>
      %dma_wait3A_41 = arith.constant 0 : i32
      %dma_wait3A_42 = arith.constant 0 : i32
      %dma_wait3A_43 = tpu.memref_slice %arg2[%dma_wait3A_41, %dma_wait3A_42] : memref<10000x128xf32, #tpu.memory_space<hbm>> -> memref<10000x128xf32, #tpu.memory_space<hbm>>
      tpu.wait_indirect_dma semaphore(%arg10 : memref<!tpu.dma_semaphore, #tpu.memory_space<semaphore_mem>>) src(%dma_wait3A_43 : memref<10000x128xf32, #tpu.memory_space<hbm>>) dst(%arg6 : memref<128x128xf32, #tpu.memory_space<vmem>>)
      %run_scoped3A_44 = arith.constant 0 : i32
      "tpu.region"() ({
        %run_scoped3A_46 = tpu.sem_alloc : memref<!tpu.dma_semaphore, #tpu.memory_space<semaphore_mem>>
        %dma_start3A_47 = arith.constant 0 : i32
        %dma_start3A_48 = tpu.memref_slice %arg8[%run_scoped3A_44, %dma_start3A_47] : memref<1x128xi32, #tpu.memory_space<vmem>> -> memref<1x128xi32, #tpu.memory_space<vmem>>
        %dma_start3A_49 = tpu.memref_squeeze %dma_start3A_48 : memref<1x128xi32, #tpu.memory_space<vmem>> -> memref<128xi32, #tpu.memory_space<vmem>>
        %dma_start3A_50 = arith.constant 0 : i32
        %dma_start3A_51 = arith.constant 0 : i32
        %dma_start3A_52 = tpu.memref_slice %arg9[%dma_start3A_50, %dma_start3A_51] : memref<10240x128xf32, #tpu.memory_space<vmem_shared>> -> memref<10240x128xf32, #tpu.memory_space<vmem_shared>>
        tpu.enqueue_indirect_dma source(%arg6 : memref<128x128xf32, #tpu.memory_space<vmem>>) target(%dma_start3A_52 : memref<10240x128xf32, #tpu.memory_space<vmem_shared>>) offsets(%dma_start3A_49 : memref<128xi32, #tpu.memory_space<vmem>>) semaphore(%run_scoped3A_46 : memref<!tpu.dma_semaphore, #tpu.memory_space<semaphore_mem>>) {add = true}
        %dma_wait3A_53 = arith.constant 0 : i32
        %dma_wait3A_54 = tpu.memref_slice %arg8[%run_scoped3A_44, %dma_wait3A_53] : memref<1x128xi32, #tpu.memory_space<vmem>> -> memref<1x128xi32, #tpu.memory_space<vmem>>
        %dma_wait3A_55 = tpu.memref_squeeze %dma_wait3A_54 : memref<1x128xi32, #tpu.memory_space<vmem>> -> memref<128xi32, #tpu.memory_space<vmem>>
        %dma_wait3A_56 = arith.constant 0 : i32
        %dma_wait3A_57 = arith.constant 0 : i32
        %dma_wait3A_58 = tpu.memref_slice %arg9[%dma_wait3A_56, %dma_wait3A_57] : memref<10240x128xf32, #tpu.memory_space<vmem_shared>> -> memref<10240x128xf32, #tpu.memory_space<vmem_shared>>
        tpu.wait_indirect_dma semaphore(%run_scoped3A_46 : memref<!tpu.dma_semaphore, #tpu.memory_space<semaphore_mem>>) src(%arg6 : memref<128x128xf32, #tpu.memory_space<vmem>>) dst(%dma_wait3A_58 : memref<10240x128xf32, #tpu.memory_space<vmem_shared>>)
        tpu.yield
      }) : () -> ()
      %scan3A_45 = arith.constant 0 : i32
      scf.yield %scan3A_45 : i32
    }
    %scan3A_24 = arith.constant 79 : i32
    %barrier3A_25 = arith.constant 0 : index
    tpu.barrier barrier_id(%barrier3A_25)
    "tpu.region"() ({
      %run_scoped3A = tpu.sem_alloc : memref<!tpu.dma_semaphore, #tpu.memory_space<semaphore_mem>>
      %dma_start3A = arith.constant 0 : i32
      %dma_start3A_26 = tpu.memref_slice %arg5[%arg0, %mul3A_8, %dma_start3A] : memref<2x10240x128xf32, #tpu.memory_space<hbm>> -> memref<1x640x128xf32, #tpu.memory_space<hbm>>
      %dma_start3A_27 = tpu.memref_squeeze %dma_start3A_26 : memref<1x640x128xf32, #tpu.memory_space<hbm>> -> memref<640x128xf32, #tpu.memory_space<hbm>>
      %dma_start3A_28 = arith.constant 0 : i32
      %dma_start3A_29 = tpu.memref_slice %arg9[%mul3A_8, %dma_start3A_28] : memref<10240x128xf32, #tpu.memory_space<vmem_shared>> -> memref<640x128xf32, #tpu.memory_space<vmem_shared>>
      tpu.enqueue_dma source(%dma_start3A_29 : memref<640x128xf32, #tpu.memory_space<vmem_shared>>) target(%dma_start3A_27 : memref<640x128xf32, #tpu.memory_space<hbm>>) target_semaphore(%run_scoped3A : memref<!tpu.dma_semaphore, #tpu.memory_space<semaphore_mem>>)
      %dma_wait3A = arith.constant 0 : i32
      %dma_wait3A_30 = tpu.memref_slice %arg5[%arg0, %mul3A_8, %dma_wait3A] : memref<2x10240x128xf32, #tpu.memory_space<hbm>> -> memref<1x640x128xf32, #tpu.memory_space<hbm>>
      %dma_wait3A_31 = tpu.memref_squeeze %dma_wait3A_30 : memref<1x640x128xf32, #tpu.memory_space<hbm>> -> memref<640x128xf32, #tpu.memory_space<hbm>>
      %dma_wait3A_32 = arith.constant 0 : i32
      %dma_wait3A_33 = tpu.memref_slice %arg9[%mul3A_8, %dma_wait3A_32] : memref<10240x128xf32, #tpu.memory_space<vmem_shared>> -> memref<640x128xf32, #tpu.memory_space<vmem_shared>>
      tpu.wait_dma2 semaphore(%run_scoped3A : memref<!tpu.dma_semaphore, #tpu.memory_space<semaphore_mem>>) src(%dma_wait3A_33 : memref<640x128xf32, #tpu.memory_space<vmem_shared>>) dst(%dma_wait3A_31 : memref<640x128xf32, #tpu.memory_space<hbm>>)
      tpu.yield
    }) : () -> ()
    return
  }
}

#map = affine_map<(d0, d1) -> (0, 0)>
#map1 = affine_map<(d0, d1) -> (0)>
#map2 = affine_map<(d0, d1) -> (0, 0, 0)>
module attributes {stable_mosaic.version = 14 : i64} {
  func.func @_scatter_kernel(%arg0: i32, %arg1: i32, %arg2: memref<10000x128xf32, #tpu.memory_space<hbm>>, %arg3: memref<323584xi32, #tpu.memory_space<hbm>>, %arg4: memref<323584xi32, #tpu.memory_space<hbm>>, %arg5: memref<2x10240x128xf32, #tpu.memory_space<hbm>>, %arg6: memref<128x128xf32, #tpu.memory_space<vmem>>, %arg7: memref<1x128xi32, #tpu.memory_space<vmem>>, %arg8: memref<1x128xi32, #tpu.memory_space<vmem>>, %arg9: memref<10240x128xf32, #tpu.memory_space<vmem_shared>>, %arg10: memref<!tpu.dma_semaphore, #tpu.memory_space<semaphore_mem>>) attributes {dimension_semantics = [#tpu.dimension_semantics<core_parallel>, #tpu.dimension_semantics<subcore_parallel>], iteration_bounds = array<i64: 2, 16>, scalar_prefetch = 0 : i64, scratch_operands = 5 : i64, tpu.core_type = #tpu.core_type<sc_vector_subcore>, window_params = [{transform_indices = #map}, {transform_indices = #map1}, {transform_indices = #map1}, {transform_indices = #map2}]} {
    %mul3A = arith.constant 2 : i32
    %mul3A_0 = arith.muli %arg1, %mul3A : i32
    %add3A = arith.addi %mul3A_0, %arg0 : i32
    %scan3A = arith.constant 0 : i32
    %scan3A_1 = arith.constant 0 : i32
    %scan3A_2 = arith.constant 1024 : i32
    %scan3A_3 = arith.addi %scan3A_1, %scan3A_2 : i32
    %scan3A_4 = arith.constant 1 : i32
    %scan3A_5 = scf.for %scan3A_26 = %scan3A_1 to %scan3A_3 step %scan3A_4 iter_args(%scan3A_27 = %scan3A) -> (i32)  : i32 {
      %jit3A = arith.constant 8 : i32
      %div3A = arith.divsi %scan3A_26, %jit3A : i32
      %sign3A = arith.constant 0 : i32
      %sign3A_28 = arith.cmpi sgt, %scan3A_26, %sign3A : i32
      %sign3A_29 = arith.extui %sign3A_28 : i1 to i32
      %sign3A_30 = arith.constant 0 : i32
      %sign3A_31 = arith.cmpi slt, %scan3A_26, %sign3A_30 : i32
      %sign3A_32 = arith.extui %sign3A_31 : i1 to i32
      %sign3A_33 = arith.subi %sign3A_29, %sign3A_32 : i32
      %sign3A_34 = arith.constant 0 : i32
      %sign3A_35 = arith.cmpi sgt, %jit3A, %sign3A_34 : i32
      %sign3A_36 = arith.extui %sign3A_35 : i1 to i32
      %sign3A_37 = arith.constant 0 : i32
      %sign3A_38 = arith.cmpi slt, %jit3A, %sign3A_37 : i32
      %sign3A_39 = arith.extui %sign3A_38 : i1 to i32
      %sign3A_40 = arith.subi %sign3A_36, %sign3A_39 : i32
      %ne3A = arith.cmpi ne, %sign3A_33, %sign3A_40 : i32
      %rem3A = arith.remsi %scan3A_26, %jit3A : i32
      %ne3A_41 = arith.constant 0 : i32
      %ne3A_42 = arith.cmpi ne, %rem3A, %ne3A_41 : i32
      %and3A = arith.andi %ne3A, %ne3A_42 : i1
      %sub3A = arith.constant 1 : i32
      %sub3A_43 = arith.subi %div3A, %sub3A : i32
      %select_n3A = arith.select %and3A, %sub3A_43, %div3A : i32
      %jit3A_44 = arith.constant 8 : i32
      %eq3A = arith.constant 0 : i32
      %eq3A_45 = arith.cmpi eq, %jit3A_44, %eq3A : i32
      %jit3A_46 = arith.constant 1 : i32
      %select_n3A_47 = arith.select %eq3A_45, %jit3A_46, %jit3A_44 : i32
      %rem3A_48 = arith.remsi %scan3A_26, %select_n3A_47 : i32
      %ne3A_49 = arith.constant 0 : i32
      %ne3A_50 = arith.cmpi ne, %rem3A_48, %ne3A_49 : i32
      %lt3A = arith.constant 0 : i32
      %lt3A_51 = arith.cmpi slt, %rem3A_48, %lt3A : i32
      %lt3A_52 = arith.constant 0 : i32
      %lt3A_53 = arith.cmpi slt, %select_n3A_47, %lt3A_52 : i32
      %ne3A_54 = arith.xori %lt3A_51, %lt3A_53 : i1
      %and3A_55 = arith.andi %ne3A_54, %ne3A_50 : i1
      %add3A_56 = arith.addi %rem3A_48, %select_n3A_47 : i32
      %select_n3A_57 = arith.select %and3A_55, %add3A_56, %rem3A_48 : i32
      %broadcast_in_dim3A = arith.constant 0.000000e+00 : f32
      %broadcast_in_dim3A_58 = vector.broadcast %broadcast_in_dim3A : f32 to vector<16xf32>
      %mul3A_59 = arith.constant 16 : i32
      %mul3A_60 = arith.muli %select_n3A_57, %mul3A_59 : i32
      %swap3A = arith.index_cast %select_n3A : i32 to index
      %swap3A_61 = arith.index_cast %mul3A_60 : i32 to index
      %swap3A_62 = tpu.vector_load %arg6[%swap3A, %swap3A_61] {strides = array<i32>} : memref<128x128xf32, #tpu.memory_space<vmem>>, vector<1x16xf32>,
      %swap3A_63 = vector.shape_cast %swap3A_62 : vector<1x16xf32> to vector<16xf32>
      %swap3A_64 = vector.shape_cast %broadcast_in_dim3A_58 : vector<16xf32> to vector<1x16xf32>
      tpu.vector_store %arg6[%swap3A, %swap3A_61], %swap3A_64 {strides = array<i32>} : memref<128x128xf32, #tpu.memory_space<vmem>>, vector<1x16xf32>,
      %scan3A_65 = arith.constant 0 : i32
      scf.yield %scan3A_65 : i32
    }
    %scan3A_6 = arith.constant 1024 : i32
    %mul3A_7 = arith.constant 640 : i32
    %mul3A_8 = arith.muli %arg1, %mul3A_7 : i32
    %scan3A_9 = arith.constant 0 : i32
    %scan3A_10 = arith.constant 0 : i32
    %scan3A_11 = arith.constant 5 : i32
    %scan3A_12 = arith.addi %scan3A_10, %scan3A_11 : i32
    %scan3A_13 = arith.constant 1 : i32
    %scan3A_14 = scf.for %scan3A_26 = %scan3A_10 to %scan3A_12 step %scan3A_13 iter_args(%scan3A_27 = %scan3A_9) -> (i32)  : i32 {
      %mul3A_28 = arith.constant 128 : i32
      %mul3A_29 = arith.muli %scan3A_26, %mul3A_28 : i32
      %add3A_30 = arith.addi %mul3A_8, %mul3A_29 : i32
      "tpu.region"() ({
        %run_scoped3A = tpu.sem_alloc : memref<!tpu.dma_semaphore, #tpu.memory_space<semaphore_mem>>
        %dma_start3A = arith.constant 0 : i32
        %dma_start3A_32 = tpu.memref_slice %arg9[%add3A_30, %dma_start3A] : memref<10240x128xf32, #tpu.memory_space<vmem_shared>> -> memref<128x128xf32, #tpu.memory_space<vmem_shared>>
        %dma_start3A_33 = arith.constant 0 : i32
        %dma_start3A_34 = tpu.memref_slice %arg9[%add3A_30, %dma_start3A_33] : memref<10240x128xf32, #tpu.memory_space<vmem_shared>> -> memref<128x128xf32, #tpu.memory_space<vmem_shared>>
        tpu.enqueue_dma source(%arg6 : memref<128x128xf32, #tpu.memory_space<vmem>>) target(%dma_start3A_34 : memref<128x128xf32, #tpu.memory_space<vmem_shared>>) target_semaphore(%run_scoped3A : memref<!tpu.dma_semaphore, #tpu.memory_space<semaphore_mem>>)
        %dma_wait3A = arith.constant 0 : i32
        %dma_wait3A_35 = tpu.memref_slice %arg9[%add3A_30, %dma_wait3A] : memref<10240x128xf32, #tpu.memory_space<vmem_shared>> -> memref<128x128xf32, #tpu.memory_space<vmem_shared>>
        %dma_wait3A_36 = arith.constant 0 : i32
        %dma_wait3A_37 = tpu.memref_slice %arg9[%add3A_30, %dma_wait3A_36] : memref<10240x128xf32, #tpu.memory_space<vmem_shared>> -> memref<128x128xf32, #tpu.memory_space<vmem_shared>>
        tpu.wait_dma2 semaphore(%run_scoped3A : memref<!tpu.dma_semaphore, #tpu.memory_space<semaphore_mem>>) src(%arg6 : memref<128x128xf32, #tpu.memory_space<vmem>>) dst(%dma_wait3A_37 : memref<128x128xf32, #tpu.memory_space<vmem_shared>>)
        tpu.yield
      }) : () -> ()
      %scan3A_31 = arith.constant 0 : i32
      scf.yield %scan3A_31 : i32
    }
    %scan3A_15 = arith.constant 5 : i32
    %barrier3A = arith.constant 0 : index
    tpu.barrier barrier_id(%barrier3A)
    %mul3A_16 = arith.constant 10112 : i32
    %mul3A_17 = arith.muli %add3A, %mul3A_16 : i32
    %scan3A_18 = arith.constant 0 : i32
    %scan3A_19 = arith.constant 0 : i32
    %scan3A_20 = arith.constant 79 : i32
    %scan3A_21 = arith.addi %scan3A_19, %scan3A_20 : i32
    %scan3A_22 = arith.constant 1 : i32
    %scan3A_23 = scf.for %scan3A_26 = %scan3A_19 to %scan3A_21 step %scan3A_22 iter_args(%scan3A_27 = %scan3A_18) -> (i32)  : i32 {
      %mul3A_28 = arith.constant 128 : i32
      %mul3A_29 = arith.muli %scan3A_26, %mul3A_28 : i32
      %add3A_30 = arith.addi %mul3A_17, %mul3A_29 : i32
      %run_scoped3A = arith.constant 0 : i32
      "tpu.region"() ({
        %run_scoped3A_46 = tpu.sem_alloc : memref<!tpu.dma_semaphore, #tpu.memory_space<semaphore_mem>>
        %dma_start3A_47 = arith.constant 0 : i32
        %dma_start3A_48 = tpu.memref_slice %arg7[%run_scoped3A, %dma_start3A_47] : memref<1x128xi32, #tpu.memory_space<vmem>> -> memref<1x128xi32, #tpu.memory_space<vmem>>
        %dma_start3A_49 = tpu.memref_squeeze %dma_start3A_48 : memref<1x128xi32, #tpu.memory_space<vmem>> -> memref<128xi32, #tpu.memory_space<vmem>>
        %dma_start3A_50 = tpu.memref_slice %arg3[%add3A_30] : memref<323584xi32, #tpu.memory_space<hbm>> -> memref<128xi32, #tpu.memory_space<hbm>>
        %dma_start3A_51 = arith.constant 0 : i32
        %dma_start3A_52 = tpu.memref_slice %arg7[%run_scoped3A, %dma_start3A_51] : memref<1x128xi32, #tpu.memory_space<vmem>> -> memref<1x128xi32, #tpu.memory_space<vmem>>
        %dma_start3A_53 = tpu.memref_squeeze %dma_start3A_52 : memref<1x128xi32, #tpu.memory_space<vmem>> -> memref<128xi32, #tpu.memory_space<vmem>>
        %dma_start3A_54 = tpu.memref_slice %arg3[%add3A_30] : memref<323584xi32, #tpu.memory_space<hbm>> -> memref<128xi32, #tpu.memory_space<hbm>>
        tpu.enqueue_dma source(%dma_start3A_54 : memref<128xi32, #tpu.memory_space<hbm>>) target(%dma_start3A_53 : memref<128xi32, #tpu.memory_space<vmem>>) target_semaphore(%run_scoped3A_46 : memref<!tpu.dma_semaphore, #tpu.memory_space<semaphore_mem>>)
        %dma_wait3A_55 = arith.constant 0 : i32
        %dma_wait3A_56 = tpu.memref_slice %arg7[%run_scoped3A, %dma_wait3A_55] : memref<1x128xi32, #tpu.memory_space<vmem>> -> memref<1x128xi32, #tpu.memory_space<vmem>>
        %dma_wait3A_57 = tpu.memref_squeeze %dma_wait3A_56 : memref<1x128xi32, #tpu.memory_space<vmem>> -> memref<128xi32, #tpu.memory_space<vmem>>
        %dma_wait3A_58 = tpu.memref_slice %arg3[%add3A_30] : memref<323584xi32, #tpu.memory_space<hbm>> -> memref<128xi32, #tpu.memory_space<hbm>>
        %dma_wait3A_59 = arith.constant 0 : i32
        %dma_wait3A_60 = tpu.memref_slice %arg7[%run_scoped3A, %dma_wait3A_59] : memref<1x128xi32, #tpu.memory_space<vmem>> -> memref<1x128xi32, #tpu.memory_space<vmem>>
        %dma_wait3A_61 = tpu.memref_squeeze %dma_wait3A_60 : memref<1x128xi32, #tpu.memory_space<vmem>> -> memref<128xi32, #tpu.memory_space<vmem>>
        %dma_wait3A_62 = tpu.memref_slice %arg3[%add3A_30] : memref<323584xi32, #tpu.memory_space<hbm>> -> memref<128xi32, #tpu.memory_space<hbm>>
        tpu.wait_dma2 semaphore(%run_scoped3A_46 : memref<!tpu.dma_semaphore, #tpu.memory_space<semaphore_mem>>) src(%dma_wait3A_62 : memref<128xi32, #tpu.memory_space<hbm>>) dst(%dma_wait3A_61 : memref<128xi32, #tpu.memory_space<vmem>>)
        tpu.yield
      }) : () -> ()
      %run_scoped3A_31 = arith.constant 0 : i32
      "tpu.region"() ({
        %run_scoped3A_46 = tpu.sem_alloc : memref<!tpu.dma_semaphore, #tpu.memory_space<semaphore_mem>>
        %dma_start3A_47 = arith.constant 0 : i32
        %dma_start3A_48 = tpu.memref_slice %arg8[%run_scoped3A_31, %dma_start3A_47] : memref<1x128xi32, #tpu.memory_space<vmem>> -> memref<1x128xi32, #tpu.memory_space<vmem>>
        %dma_start3A_49 = tpu.memref_squeeze %dma_start3A_48 : memref<1x128xi32, #tpu.memory_space<vmem>> -> memref<128xi32, #tpu.memory_space<vmem>>
        %dma_start3A_50 = tpu.memref_slice %arg4[%add3A_30] : memref<323584xi32, #tpu.memory_space<hbm>> -> memref<128xi32, #tpu.memory_space<hbm>>
        %dma_start3A_51 = arith.constant 0 : i32
        %dma_start3A_52 = tpu.memref_slice %arg8[%run_scoped3A_31, %dma_start3A_51] : memref<1x128xi32, #tpu.memory_space<vmem>> -> memref<1x128xi32, #tpu.memory_space<vmem>>
        %dma_start3A_53 = tpu.memref_squeeze %dma_start3A_52 : memref<1x128xi32, #tpu.memory_space<vmem>> -> memref<128xi32, #tpu.memory_space<vmem>>
        %dma_start3A_54 = tpu.memref_slice %arg4[%add3A_30] : memref<323584xi32, #tpu.memory_space<hbm>> -> memref<128xi32, #tpu.memory_space<hbm>>
        tpu.enqueue_dma source(%dma_start3A_54 : memref<128xi32, #tpu.memory_space<hbm>>) target(%dma_start3A_53 : memref<128xi32, #tpu.memory_space<vmem>>) target_semaphore(%run_scoped3A_46 : memref<!tpu.dma_semaphore, #tpu.memory_space<semaphore_mem>>)
        %dma_wait3A_55 = arith.constant 0 : i32
        %dma_wait3A_56 = tpu.memref_slice %arg8[%run_scoped3A_31, %dma_wait3A_55] : memref<1x128xi32, #tpu.memory_space<vmem>> -> memref<1x128xi32, #tpu.memory_space<vmem>>
        %dma_wait3A_57 = tpu.memref_squeeze %dma_wait3A_56 : memref<1x128xi32, #tpu.memory_space<vmem>> -> memref<128xi32, #tpu.memory_space<vmem>>
        %dma_wait3A_58 = tpu.memref_slice %arg4[%add3A_30] : memref<323584xi32, #tpu.memory_space<hbm>> -> memref<128xi32, #tpu.memory_space<hbm>>
        %dma_wait3A_59 = arith.constant 0 : i32
        %dma_wait3A_60 = tpu.memref_slice %arg8[%run_scoped3A_31, %dma_wait3A_59] : memref<1x128xi32, #tpu.memory_space<vmem>> -> memref<1x128xi32, #tpu.memory_space<vmem>>
        %dma_wait3A_61 = tpu.memref_squeeze %dma_wait3A_60 : memref<1x128xi32, #tpu.memory_space<vmem>> -> memref<128xi32, #tpu.memory_space<vmem>>
        %dma_wait3A_62 = tpu.memref_slice %arg4[%add3A_30] : memref<323584xi32, #tpu.memory_space<hbm>> -> memref<128xi32, #tpu.memory_space<hbm>>
        tpu.wait_dma2 semaphore(%run_scoped3A_46 : memref<!tpu.dma_semaphore, #tpu.memory_space<semaphore_mem>>) src(%dma_wait3A_62 : memref<128xi32, #tpu.memory_space<hbm>>) dst(%dma_wait3A_61 : memref<128xi32, #tpu.memory_space<vmem>>)
        tpu.yield
      }) : () -> ()
      %dma_start3A = arith.constant 0 : i32
      %dma_start3A_32 = arith.constant 0 : i32
      %dma_start3A_33 = tpu.memref_slice %arg7[%dma_start3A, %dma_start3A_32] : memref<1x128xi32, #tpu.memory_space<vmem>> -> memref<1x128xi32, #tpu.memory_space<vmem>>
      %dma_start3A_34 = tpu.memref_squeeze %dma_start3A_33 : memref<1x128xi32, #tpu.memory_space<vmem>> -> memref<128xi32, #tpu.memory_space<vmem>>
      %dma_start3A_35 = arith.constant 0 : i32
      %dma_start3A_36 = arith.constant 0 : i32
      %dma_start3A_37 = tpu.memref_slice %arg2[%dma_start3A_35, %dma_start3A_36] : memref<10000x128xf32, #tpu.memory_space<hbm>> -> memref<10000x128xf32, #tpu.memory_space<hbm>>
      tpu.enqueue_indirect_dma source(%dma_start3A_37 : memref<10000x128xf32, #tpu.memory_space<hbm>>) target(%arg6 : memref<128x128xf32, #tpu.memory_space<vmem>>) offsets(%dma_start3A_34 : memref<128xi32, #tpu.memory_space<vmem>>) semaphore(%arg10 : memref<!tpu.dma_semaphore, #tpu.memory_space<semaphore_mem>>)
      %dma_wait3A = arith.constant 0 : i32
      %dma_wait3A_38 = arith.constant 0 : i32
      %dma_wait3A_39 = tpu.memref_slice %arg7[%dma_wait3A, %dma_wait3A_38] : memref<1x128xi32, #tpu.memory_space<vmem>> -> memref<1x128xi32, #tpu.memory_space<vmem>>
      %dma_wait3A_40 = tpu.memref_squeeze %dma_wait3A_39 : memref<1x128xi32, #tpu.memory_space<vmem>> -> memref<128xi32, #tpu.memory_space<vmem>>
      %dma_wait3A_41 = arith.constant 0 : i32
      %dma_wait3A_42 = arith.constant 0 : i32
      %dma_wait3A_43 = tpu.memref_slice %arg2[%dma_wait3A_41, %dma_wait3A_42] : memref<10000x128xf32, #tpu.memory_space<hbm>> -> memref<10000x128xf32, #tpu.memory_space<hbm>>
      tpu.wait_indirect_dma semaphore(%arg10 : memref<!tpu.dma_semaphore, #tpu.memory_space<semaphore_mem>>) src(%dma_wait3A_43 : memref<10000x128xf32, #tpu.memory_space<hbm>>) dst(%arg6 : memref<128x128xf32, #tpu.memory_space<vmem>>)
      %run_scoped3A_44 = arith.constant 0 : i32
      "tpu.region"() ({
        %run_scoped3A_46 = tpu.sem_alloc : memref<!tpu.dma_semaphore, #tpu.memory_space<semaphore_mem>>
        %dma_start3A_47 = arith.constant 0 : i32
        %dma_start3A_48 = tpu.memref_slice %arg8[%run_scoped3A_44, %dma_start3A_47] : memref<1x128xi32, #tpu.memory_space<vmem>> -> memref<1x128xi32, #tpu.memory_space<vmem>>
        %dma_start3A_49 = tpu.memref_squeeze %dma_start3A_48 : memref<1x128xi32, #tpu.memory_space<vmem>> -> memref<128xi32, #tpu.memory_space<vmem>>
        %dma_start3A_50 = arith.constant 0 : i32
        %dma_start3A_51 = arith.constant 0 : i32
        %dma_start3A_52 = tpu.memref_slice %arg9[%dma_start3A_50, %dma_start3A_51] : memref<10240x128xf32, #tpu.memory_space<vmem_shared>> -> memref<10240x128xf32, #tpu.memory_space<vmem_shared>>
        tpu.enqueue_indirect_dma source(%arg6 : memref<128x128xf32, #tpu.memory_space<vmem>>) target(%dma_start3A_52 : memref<10240x128xf32, #tpu.memory_space<vmem_shared>>) offsets(%dma_start3A_49 : memref<128xi32, #tpu.memory_space<vmem>>) semaphore(%run_scoped3A_46 : memref<!tpu.dma_semaphore, #tpu.memory_space<semaphore_mem>>) {add = true}
        %dma_wait3A_53 = arith.constant 0 : i32
        %dma_wait3A_54 = tpu.memref_slice %arg8[%run_scoped3A_44, %dma_wait3A_53] : memref<1x128xi32, #tpu.memory_space<vmem>> -> memref<1x128xi32, #tpu.memory_space<vmem>>
        %dma_wait3A_55 = tpu.memref_squeeze %dma_wait3A_54 : memref<1x128xi32, #tpu.memory_space<vmem>> -> memref<128xi32, #tpu.memory_space<vmem>>
        %dma_wait3A_56 = arith.constant 0 : i32
        %dma_wait3A_57 = arith.constant 0 : i32
        %dma_wait3A_58 = tpu.memref_slice %arg9[%dma_wait3A_56, %dma_wait3A_57] : memref<10240x128xf32, #tpu.memory_space<vmem_shared>> -> memref<10240x128xf32, #tpu.memory_space<vmem_shared>>
        tpu.wait_indirect_dma semaphore(%run_scoped3A_46 : memref<!tpu.dma_semaphore, #tpu.memory_space<semaphore_mem>>) src(%arg6 : memref<128x128xf32, #tpu.memory_space<vmem>>) dst(%dma_wait3A_58 : memref<10240x128xf32, #tpu.memory_space<vmem_shared>>)
        tpu.yield
      }) : () -> ()
      %scan3A_45 = arith.constant 0 : i32
      scf.yield %scan3A_45 : i32
    }
    %scan3A_24 = arith.constant 79 : i32
    %barrier3A_25 = arith.constant 0 : index
    tpu.barrier barrier_id(%barrier3A_25)
    "tpu.region"() ({
      %run_scoped3A = tpu.sem_alloc : memref<!tpu.dma_semaphore, #tpu.memory_space<semaphore_mem>>
      %dma_start3A = arith.constant 0 : i32
      %dma_start3A_26 = tpu.memref_slice %arg5[%arg0, %mul3A_8, %dma_start3A] : memref<2x10240x128xf32, #tpu.memory_space<hbm>> -> memref<1x640x128xf32, #tpu.memory_space<hbm>>
      %dma_start3A_27 = tpu.memref_squeeze %dma_start3A_26 : memref<1x640x128xf32, #tpu.memory_space<hbm>> -> memref<640x128xf32, #tpu.memory_space<hbm>>
      %dma_start3A_28 = arith.constant 0 : i32
      %dma_start3A_29 = tpu.memref_slice %arg9[%mul3A_8, %dma_start3A_28] : memref<10240x128xf32, #tpu.memory_space<vmem_shared>> -> memref<640x128xf32, #tpu.memory_space<vmem_shared>>
      tpu.enqueue_dma source(%dma_start3A_29 : memref<640x128xf32, #tpu.memory_space<vmem_shared>>) target(%dma_start3A_27 : memref<640x128xf32, #tpu.memory_space<hbm>>) target_semaphore(%run_scoped3A : memref<!tpu.dma_semaphore, #tpu.memory_space<semaphore_mem>>)
      %dma_wait3A = arith.constant 0 : i32
      %dma_wait3A_30 = tpu.memref_slice %arg5[%arg0, %mul3A_8, %dma_wait3A] : memref<2x10240x128xf32, #tpu.memory_space<hbm>> -> memref<1x640x128xf32, #tpu.memory_space<hbm>>
      %dma_wait3A_31 = tpu.memref_squeeze %dma_wait3A_30 : memref<1x640x128xf32, #tpu.memory_space<hbm>> -> memref<640x128xf32, #tpu.memory_space<hbm>>
      %dma_wait3A_32 = arith.constant 0 : i32
      %dma_wait3A_33 = tpu.memref_slice %arg9[%mul3A_8, %dma_wait3A_32] : memref<10240x128xf32, #tpu.memory_space<vmem_shared>> -> memref<640x128xf32, #tpu.memory_space<vmem_shared>>
      tpu.wait_dma2 semaphore(%run_scoped3A : memref<!tpu.dma_semaphore, #tpu.memory_space<semaphore_mem>>) src(%dma_wait3A_33 : memref<640x128xf32, #tpu.memory_space<vmem_shared>>) dst(%dma_wait3A_31 : memref<640x128xf32, #tpu.memory_space<hbm>>)
      tpu.yield
    }) : () -> ()
    return
  }
}

#map = affine_map<(d0, d1) -> (0)>
#map1 = affine_map<(d0, d1) -> (0, 0, 0)>
module attributes {stable_mosaic.version = 14 : i64} {
  func.func @_deg_kernel(%arg0: i32, %arg1: i32, %arg2: memref<323584xi32, #tpu.memory_space<hbm>>, %arg3: memref<2x10240x16xf32, #tpu.memory_space<hbm>>, %arg4: memref<128x16xf32, #tpu.memory_space<vmem>>, %arg5: memref<1x128xi32, #tpu.memory_space<vmem>>, %arg6: memref<10240x16xf32, #tpu.memory_space<vmem_shared>>) attributes {dimension_semantics = [#tpu.dimension_semantics<core_parallel>, #tpu.dimension_semantics<subcore_parallel>], iteration_bounds = array<i64: 2, 16>, scalar_prefetch = 0 : i64, scratch_operands = 3 : i64, tpu.core_type = #tpu.core_type<sc_vector_subcore>, window_params = [{transform_indices = #map}, {transform_indices = #map1}]} {
    %mul3A = arith.constant 2 : i32
    %mul3A_0 = arith.muli %arg1, %mul3A : i32
    %add3A = arith.addi %mul3A_0, %arg0 : i32
    %scan3A = arith.constant 0 : i32
    %scan3A_1 = arith.constant 0 : i32
    %scan3A_2 = arith.constant 128 : i32
    %scan3A_3 = arith.addi %scan3A_1, %scan3A_2 : i32
    %scan3A_4 = arith.constant 1 : i32
    %scan3A_5 = scf.for %scan3A_33 = %scan3A_1 to %scan3A_3 step %scan3A_4 iter_args(%scan3A_34 = %scan3A) -> (i32)  : i32 {
      %broadcast_in_dim3A = arith.constant 0.000000e+00 : f32
      %broadcast_in_dim3A_35 = vector.broadcast %broadcast_in_dim3A : f32 to vector<16xf32>
      %swap3A = arith.index_cast %scan3A_33 : i32 to index
      %swap3A_36 = arith.constant 0 : index
      %swap3A_37 = tpu.vector_load %arg4[%swap3A, %swap3A_36] {strides = array<i32>} : memref<128x16xf32, #tpu.memory_space<vmem>>, vector<1x16xf32>,
      %swap3A_38 = vector.shape_cast %swap3A_37 : vector<1x16xf32> to vector<16xf32>
      %swap3A_39 = vector.shape_cast %broadcast_in_dim3A_35 : vector<16xf32> to vector<1x16xf32>
      tpu.vector_store %arg4[%swap3A, %swap3A_36], %swap3A_39 {strides = array<i32>} : memref<128x16xf32, #tpu.memory_space<vmem>>, vector<1x16xf32>,
      %scan3A_40 = arith.constant 0 : i32
      scf.yield %scan3A_40 : i32
    }
    %scan3A_6 = arith.constant 128 : i32
    %mul3A_7 = arith.constant 640 : i32
    %mul3A_8 = arith.muli %arg1, %mul3A_7 : i32
    %scan3A_9 = arith.constant 0 : i32
    %scan3A_10 = arith.constant 0 : i32
    %scan3A_11 = arith.constant 5 : i32
    %scan3A_12 = arith.addi %scan3A_10, %scan3A_11 : i32
    %scan3A_13 = arith.constant 1 : i32
    %scan3A_14 = scf.for %scan3A_33 = %scan3A_10 to %scan3A_12 step %scan3A_13 iter_args(%scan3A_34 = %scan3A_9) -> (i32)  : i32 {
      %mul3A_35 = arith.constant 128 : i32
      %mul3A_36 = arith.muli %scan3A_33, %mul3A_35 : i32
      %add3A_37 = arith.addi %mul3A_8, %mul3A_36 : i32
      "tpu.region"() ({
        %run_scoped3A = tpu.sem_alloc : memref<!tpu.dma_semaphore, #tpu.memory_space<semaphore_mem>>
        %dma_start3A = arith.constant 0 : i32
        %dma_start3A_39 = tpu.memref_slice %arg6[%add3A_37, %dma_start3A] : memref<10240x16xf32, #tpu.memory_space<vmem_shared>> -> memref<128x16xf32, #tpu.memory_space<vmem_shared>>
        %dma_start3A_40 = arith.constant 0 : i32
        %dma_start3A_41 = tpu.memref_slice %arg6[%add3A_37, %dma_start3A_40] : memref<10240x16xf32, #tpu.memory_space<vmem_shared>> -> memref<128x16xf32, #tpu.memory_space<vmem_shared>>
        tpu.enqueue_dma source(%arg4 : memref<128x16xf32, #tpu.memory_space<vmem>>) target(%dma_start3A_41 : memref<128x16xf32, #tpu.memory_space<vmem_shared>>) target_semaphore(%run_scoped3A : memref<!tpu.dma_semaphore, #tpu.memory_space<semaphore_mem>>)
        %dma_wait3A = arith.constant 0 : i32
        %dma_wait3A_42 = tpu.memref_slice %arg6[%add3A_37, %dma_wait3A] : memref<10240x16xf32, #tpu.memory_space<vmem_shared>> -> memref<128x16xf32, #tpu.memory_space<vmem_shared>>
        %dma_wait3A_43 = arith.constant 0 : i32
        %dma_wait3A_44 = tpu.memref_slice %arg6[%add3A_37, %dma_wait3A_43] : memref<10240x16xf32, #tpu.memory_space<vmem_shared>> -> memref<128x16xf32, #tpu.memory_space<vmem_shared>>
        tpu.wait_dma2 semaphore(%run_scoped3A : memref<!tpu.dma_semaphore, #tpu.memory_space<semaphore_mem>>) src(%arg4 : memref<128x16xf32, #tpu.memory_space<vmem>>) dst(%dma_wait3A_44 : memref<128x16xf32, #tpu.memory_space<vmem_shared>>)
        tpu.yield
      }) : () -> ()
      %scan3A_38 = arith.constant 0 : i32
      scf.yield %scan3A_38 : i32
    }
    %scan3A_15 = arith.constant 5 : i32
    %scan3A_16 = arith.constant 0 : i32
    %scan3A_17 = arith.constant 0 : i32
    %scan3A_18 = arith.constant 128 : i32
    %scan3A_19 = arith.addi %scan3A_17, %scan3A_18 : i32
    %scan3A_20 = arith.constant 1 : i32
    %scan3A_21 = scf.for %scan3A_33 = %scan3A_17 to %scan3A_19 step %scan3A_20 iter_args(%scan3A_34 = %scan3A_16) -> (i32)  : i32 {
      %broadcast_in_dim3A = arith.constant 1.000000e+00 : f32
      %broadcast_in_dim3A_35 = vector.broadcast %broadcast_in_dim3A : f32 to vector<16xf32>
      %swap3A = arith.index_cast %scan3A_33 : i32 to index
      %swap3A_36 = arith.constant 0 : index
      %swap3A_37 = tpu.vector_load %arg4[%swap3A, %swap3A_36] {strides = array<i32>} : memref<128x16xf32, #tpu.memory_space<vmem>>, vector<1x16xf32>,
      %swap3A_38 = vector.shape_cast %swap3A_37 : vector<1x16xf32> to vector<16xf32>
      %swap3A_39 = vector.shape_cast %broadcast_in_dim3A_35 : vector<16xf32> to vector<1x16xf32>
      tpu.vector_store %arg4[%swap3A, %swap3A_36], %swap3A_39 {strides = array<i32>} : memref<128x16xf32, #tpu.memory_space<vmem>>, vector<1x16xf32>,
      %scan3A_40 = arith.constant 0 : i32
      scf.yield %scan3A_40 : i32
    }
    %scan3A_22 = arith.constant 128 : i32
    %barrier3A = arith.constant 0 : index
    tpu.barrier barrier_id(%barrier3A)
    %mul3A_23 = arith.constant 10112 : i32
    %mul3A_24 = arith.muli %add3A, %mul3A_23 : i32
    %scan3A_25 = arith.constant 0 : i32
    %scan3A_26 = arith.constant 0 : i32
    %scan3A_27 = arith.constant 79 : i32
    %scan3A_28 = arith.addi %scan3A_26, %scan3A_27 : i32
    %scan3A_29 = arith.constant 1 : i32
    %scan3A_30 = scf.for %scan3A_33 = %scan3A_26 to %scan3A_28 step %scan3A_29 iter_args(%scan3A_34 = %scan3A_25) -> (i32)  : i32 {
      %mul3A_35 = arith.constant 128 : i32
      %mul3A_36 = arith.muli %scan3A_33, %mul3A_35 : i32
      %add3A_37 = arith.addi %mul3A_24, %mul3A_36 : i32
      %run_scoped3A = arith.constant 0 : i32
      "tpu.region"() ({
        %run_scoped3A_40 = tpu.sem_alloc : memref<!tpu.dma_semaphore, #tpu.memory_space<semaphore_mem>>
        %dma_start3A = arith.constant 0 : i32
        %dma_start3A_41 = tpu.memref_slice %arg5[%run_scoped3A, %dma_start3A] : memref<1x128xi32, #tpu.memory_space<vmem>> -> memref<1x128xi32, #tpu.memory_space<vmem>>
        %dma_start3A_42 = tpu.memref_squeeze %dma_start3A_41 : memref<1x128xi32, #tpu.memory_space<vmem>> -> memref<128xi32, #tpu.memory_space<vmem>>
        %dma_start3A_43 = tpu.memref_slice %arg2[%add3A_37] : memref<323584xi32, #tpu.memory_space<hbm>> -> memref<128xi32, #tpu.memory_space<hbm>>
        %dma_start3A_44 = arith.constant 0 : i32
        %dma_start3A_45 = tpu.memref_slice %arg5[%run_scoped3A, %dma_start3A_44] : memref<1x128xi32, #tpu.memory_space<vmem>> -> memref<1x128xi32, #tpu.memory_space<vmem>>
        %dma_start3A_46 = tpu.memref_squeeze %dma_start3A_45 : memref<1x128xi32, #tpu.memory_space<vmem>> -> memref<128xi32, #tpu.memory_space<vmem>>
        %dma_start3A_47 = tpu.memref_slice %arg2[%add3A_37] : memref<323584xi32, #tpu.memory_space<hbm>> -> memref<128xi32, #tpu.memory_space<hbm>>
        tpu.enqueue_dma source(%dma_start3A_47 : memref<128xi32, #tpu.memory_space<hbm>>) target(%dma_start3A_46 : memref<128xi32, #tpu.memory_space<vmem>>) target_semaphore(%run_scoped3A_40 : memref<!tpu.dma_semaphore, #tpu.memory_space<semaphore_mem>>)
        %dma_wait3A = arith.constant 0 : i32
        %dma_wait3A_48 = tpu.memref_slice %arg5[%run_scoped3A, %dma_wait3A] : memref<1x128xi32, #tpu.memory_space<vmem>> -> memref<1x128xi32, #tpu.memory_space<vmem>>
        %dma_wait3A_49 = tpu.memref_squeeze %dma_wait3A_48 : memref<1x128xi32, #tpu.memory_space<vmem>> -> memref<128xi32, #tpu.memory_space<vmem>>
        %dma_wait3A_50 = tpu.memref_slice %arg2[%add3A_37] : memref<323584xi32, #tpu.memory_space<hbm>> -> memref<128xi32, #tpu.memory_space<hbm>>
        %dma_wait3A_51 = arith.constant 0 : i32
        %dma_wait3A_52 = tpu.memref_slice %arg5[%run_scoped3A, %dma_wait3A_51] : memref<1x128xi32, #tpu.memory_space<vmem>> -> memref<1x128xi32, #tpu.memory_space<vmem>>
        %dma_wait3A_53 = tpu.memref_squeeze %dma_wait3A_52 : memref<1x128xi32, #tpu.memory_space<vmem>> -> memref<128xi32, #tpu.memory_space<vmem>>
        %dma_wait3A_54 = tpu.memref_slice %arg2[%add3A_37] : memref<323584xi32, #tpu.memory_space<hbm>> -> memref<128xi32, #tpu.memory_space<hbm>>
        tpu.wait_dma2 semaphore(%run_scoped3A_40 : memref<!tpu.dma_semaphore, #tpu.memory_space<semaphore_mem>>) src(%dma_wait3A_54 : memref<128xi32, #tpu.memory_space<hbm>>) dst(%dma_wait3A_53 : memref<128xi32, #tpu.memory_space<vmem>>)
        tpu.yield
      }) : () -> ()
      %run_scoped3A_38 = arith.constant 0 : i32
      "tpu.region"() ({
        %run_scoped3A_40 = tpu.sem_alloc : memref<!tpu.dma_semaphore, #tpu.memory_space<semaphore_mem>>
        %dma_start3A = arith.constant 0 : i32
        %dma_start3A_41 = tpu.memref_slice %arg5[%run_scoped3A_38, %dma_start3A] : memref<1x128xi32, #tpu.memory_space<vmem>> -> memref<1x128xi32, #tpu.memory_space<vmem>>
        %dma_start3A_42 = tpu.memref_squeeze %dma_start3A_41 : memref<1x128xi32, #tpu.memory_space<vmem>> -> memref<128xi32, #tpu.memory_space<vmem>>
        %dma_start3A_43 = arith.constant 0 : i32
        %dma_start3A_44 = arith.constant 0 : i32
        %dma_start3A_45 = tpu.memref_slice %arg6[%dma_start3A_43, %dma_start3A_44] : memref<10240x16xf32, #tpu.memory_space<vmem_shared>> -> memref<10240x16xf32, #tpu.memory_space<vmem_shared>>
        tpu.enqueue_indirect_dma source(%arg4 : memref<128x16xf32, #tpu.memory_space<vmem>>) target(%dma_start3A_45 : memref<10240x16xf32, #tpu.memory_space<vmem_shared>>) offsets(%dma_start3A_42 : memref<128xi32, #tpu.memory_space<vmem>>) semaphore(%run_scoped3A_40 : memref<!tpu.dma_semaphore, #tpu.memory_space<semaphore_mem>>) {add = true}
        %dma_wait3A = arith.constant 0 : i32
        %dma_wait3A_46 = tpu.memref_slice %arg5[%run_scoped3A_38, %dma_wait3A] : memref<1x128xi32, #tpu.memory_space<vmem>> -> memref<1x128xi32, #tpu.memory_space<vmem>>
        %dma_wait3A_47 = tpu.memref_squeeze %dma_wait3A_46 : memref<1x128xi32, #tpu.memory_space<vmem>> -> memref<128xi32, #tpu.memory_space<vmem>>
        %dma_wait3A_48 = arith.constant 0 : i32
        %dma_wait3A_49 = arith.constant 0 : i32
        %dma_wait3A_50 = tpu.memref_slice %arg6[%dma_wait3A_48, %dma_wait3A_49] : memref<10240x16xf32, #tpu.memory_space<vmem_shared>> -> memref<10240x16xf32, #tpu.memory_space<vmem_shared>>
        tpu.wait_indirect_dma semaphore(%run_scoped3A_40 : memref<!tpu.dma_semaphore, #tpu.memory_space<semaphore_mem>>) src(%arg4 : memref<128x16xf32, #tpu.memory_space<vmem>>) dst(%dma_wait3A_50 : memref<10240x16xf32, #tpu.memory_space<vmem_shared>>)
        tpu.yield
      }) : () -> ()
      %scan3A_39 = arith.constant 0 : i32
      scf.yield %scan3A_39 : i32
    }
    %scan3A_31 = arith.constant 79 : i32
    %barrier3A_32 = arith.constant 0 : index
    tpu.barrier barrier_id(%barrier3A_32)
    "tpu.region"() ({
      %run_scoped3A = tpu.sem_alloc : memref<!tpu.dma_semaphore, #tpu.memory_space<semaphore_mem>>
      %dma_start3A = arith.constant 0 : i32
      %dma_start3A_33 = tpu.memref_slice %arg3[%arg0, %mul3A_8, %dma_start3A] : memref<2x10240x16xf32, #tpu.memory_space<hbm>> -> memref<1x640x16xf32, #tpu.memory_space<hbm>>
      %dma_start3A_34 = tpu.memref_squeeze %dma_start3A_33 : memref<1x640x16xf32, #tpu.memory_space<hbm>> -> memref<640x16xf32, #tpu.memory_space<hbm>>
      %dma_start3A_35 = arith.constant 0 : i32
      %dma_start3A_36 = tpu.memref_slice %arg6[%mul3A_8, %dma_start3A_35] : memref<10240x16xf32, #tpu.memory_space<vmem_shared>> -> memref<640x16xf32, #tpu.memory_space<vmem_shared>>
      tpu.enqueue_dma source(%dma_start3A_36 : memref<640x16xf32, #tpu.memory_space<vmem_shared>>) target(%dma_start3A_34 : memref<640x16xf32, #tpu.memory_space<hbm>>) target_semaphore(%run_scoped3A : memref<!tpu.dma_semaphore, #tpu.memory_space<semaphore_mem>>)
      %dma_wait3A = arith.constant 0 : i32
      %dma_wait3A_37 = tpu.memref_slice %arg3[%arg0, %mul3A_8, %dma_wait3A] : memref<2x10240x16xf32, #tpu.memory_space<hbm>> -> memref<1x640x16xf32, #tpu.memory_space<hbm>>
      %dma_wait3A_38 = tpu.memref_squeeze %dma_wait3A_37 : memref<1x640x16xf32, #tpu.memory_space<hbm>> -> memref<640x16xf32, #tpu.memory_space<hbm>>
      %dma_wait3A_39 = arith.constant 0 : i32
      %dma_wait3A_40 = tpu.memref_slice %arg6[%mul3A_8, %dma_wait3A_39] : memref<10240x16xf32, #tpu.memory_space<vmem_shared>> -> memref<640x16xf32, #tpu.memory_space<vmem_shared>>
      tpu.wait_dma2 semaphore(%run_scoped3A : memref<!tpu.dma_semaphore, #tpu.memory_space<semaphore_mem>>) src(%dma_wait3A_40 : memref<640x16xf32, #tpu.memory_space<vmem_shared>>) dst(%dma_wait3A_38 : memref<640x16xf32, #tpu.memory_space<hbm>>)
      tpu.yield
    }) : () -> ()
    return
  }
}

#map = affine_map<(d0, d1) -> (0, 0)>
#map1 = affine_map<(d0, d1) -> (0)>
#map2 = affine_map<(d0, d1) -> (0, 0, 0)>
module attributes {stable_mosaic.version = 14 : i64} {
  func.func @_scatter_kernel(%arg0: i32, %arg1: i32, %arg2: memref<10000x128xf32, #tpu.memory_space<hbm>>, %arg3: memref<323584xi32, #tpu.memory_space<hbm>>, %arg4: memref<323584xi32, #tpu.memory_space<hbm>>, %arg5: memref<2x10240x128xf32, #tpu.memory_space<hbm>>, %arg6: memref<128x128xf32, #tpu.memory_space<vmem>>, %arg7: memref<1x128xi32, #tpu.memory_space<vmem>>, %arg8: memref<1x128xi32, #tpu.memory_space<vmem>>, %arg9: memref<10240x128xf32, #tpu.memory_space<vmem_shared>>, %arg10: memref<!tpu.dma_semaphore, #tpu.memory_space<semaphore_mem>>) attributes {dimension_semantics = [#tpu.dimension_semantics<core_parallel>, #tpu.dimension_semantics<subcore_parallel>], iteration_bounds = array<i64: 2, 16>, scalar_prefetch = 0 : i64, scratch_operands = 5 : i64, tpu.core_type = #tpu.core_type<sc_vector_subcore>, window_params = [{transform_indices = #map}, {transform_indices = #map1}, {transform_indices = #map1}, {transform_indices = #map2}]} {
    %mul3A = arith.constant 2 : i32
    %mul3A_0 = arith.muli %arg1, %mul3A : i32
    %add3A = arith.addi %mul3A_0, %arg0 : i32
    %scan3A = arith.constant 0 : i32
    %scan3A_1 = arith.constant 0 : i32
    %scan3A_2 = arith.constant 1024 : i32
    %scan3A_3 = arith.addi %scan3A_1, %scan3A_2 : i32
    %scan3A_4 = arith.constant 1 : i32
    %scan3A_5 = scf.for %scan3A_26 = %scan3A_1 to %scan3A_3 step %scan3A_4 iter_args(%scan3A_27 = %scan3A) -> (i32)  : i32 {
      %jit3A = arith.constant 8 : i32
      %div3A = arith.divsi %scan3A_26, %jit3A : i32
      %sign3A = arith.constant 0 : i32
      %sign3A_28 = arith.cmpi sgt, %scan3A_26, %sign3A : i32
      %sign3A_29 = arith.extui %sign3A_28 : i1 to i32
      %sign3A_30 = arith.constant 0 : i32
      %sign3A_31 = arith.cmpi slt, %scan3A_26, %sign3A_30 : i32
      %sign3A_32 = arith.extui %sign3A_31 : i1 to i32
      %sign3A_33 = arith.subi %sign3A_29, %sign3A_32 : i32
      %sign3A_34 = arith.constant 0 : i32
      %sign3A_35 = arith.cmpi sgt, %jit3A, %sign3A_34 : i32
      %sign3A_36 = arith.extui %sign3A_35 : i1 to i32
      %sign3A_37 = arith.constant 0 : i32
      %sign3A_38 = arith.cmpi slt, %jit3A, %sign3A_37 : i32
      %sign3A_39 = arith.extui %sign3A_38 : i1 to i32
      %sign3A_40 = arith.subi %sign3A_36, %sign3A_39 : i32
      %ne3A = arith.cmpi ne, %sign3A_33, %sign3A_40 : i32
      %rem3A = arith.remsi %scan3A_26, %jit3A : i32
      %ne3A_41 = arith.constant 0 : i32
      %ne3A_42 = arith.cmpi ne, %rem3A, %ne3A_41 : i32
      %and3A = arith.andi %ne3A, %ne3A_42 : i1
      %sub3A = arith.constant 1 : i32
      %sub3A_43 = arith.subi %div3A, %sub3A : i32
      %select_n3A = arith.select %and3A, %sub3A_43, %div3A : i32
      %jit3A_44 = arith.constant 8 : i32
      %eq3A = arith.constant 0 : i32
      %eq3A_45 = arith.cmpi eq, %jit3A_44, %eq3A : i32
      %jit3A_46 = arith.constant 1 : i32
      %select_n3A_47 = arith.select %eq3A_45, %jit3A_46, %jit3A_44 : i32
      %rem3A_48 = arith.remsi %scan3A_26, %select_n3A_47 : i32
      %ne3A_49 = arith.constant 0 : i32
      %ne3A_50 = arith.cmpi ne, %rem3A_48, %ne3A_49 : i32
      %lt3A = arith.constant 0 : i32
      %lt3A_51 = arith.cmpi slt, %rem3A_48, %lt3A : i32
      %lt3A_52 = arith.constant 0 : i32
      %lt3A_53 = arith.cmpi slt, %select_n3A_47, %lt3A_52 : i32
      %ne3A_54 = arith.xori %lt3A_51, %lt3A_53 : i1
      %and3A_55 = arith.andi %ne3A_54, %ne3A_50 : i1
      %add3A_56 = arith.addi %rem3A_48, %select_n3A_47 : i32
      %select_n3A_57 = arith.select %and3A_55, %add3A_56, %rem3A_48 : i32
      %broadcast_in_dim3A = arith.constant 0.000000e+00 : f32
      %broadcast_in_dim3A_58 = vector.broadcast %broadcast_in_dim3A : f32 to vector<16xf32>
      %mul3A_59 = arith.constant 16 : i32
      %mul3A_60 = arith.muli %select_n3A_57, %mul3A_59 : i32
      %swap3A = arith.index_cast %select_n3A : i32 to index
      %swap3A_61 = arith.index_cast %mul3A_60 : i32 to index
      %swap3A_62 = tpu.vector_load %arg6[%swap3A, %swap3A_61] {strides = array<i32>} : memref<128x128xf32, #tpu.memory_space<vmem>>, vector<1x16xf32>,
      %swap3A_63 = vector.shape_cast %swap3A_62 : vector<1x16xf32> to vector<16xf32>
      %swap3A_64 = vector.shape_cast %broadcast_in_dim3A_58 : vector<16xf32> to vector<1x16xf32>
      tpu.vector_store %arg6[%swap3A, %swap3A_61], %swap3A_64 {strides = array<i32>} : memref<128x128xf32, #tpu.memory_space<vmem>>, vector<1x16xf32>,
      %scan3A_65 = arith.constant 0 : i32
      scf.yield %scan3A_65 : i32
    }
    %scan3A_6 = arith.constant 1024 : i32
    %mul3A_7 = arith.constant 640 : i32
    %mul3A_8 = arith.muli %arg1, %mul3A_7 : i32
    %scan3A_9 = arith.constant 0 : i32
    %scan3A_10 = arith.constant 0 : i32
    %scan3A_11 = arith.constant 5 : i32
    %scan3A_12 = arith.addi %scan3A_10, %scan3A_11 : i32
    %scan3A_13 = arith.constant 1 : i32
    %scan3A_14 = scf.for %scan3A_26 = %scan3A_10 to %scan3A_12 step %scan3A_13 iter_args(%scan3A_27 = %scan3A_9) -> (i32)  : i32 {
      %mul3A_28 = arith.constant 128 : i32
      %mul3A_29 = arith.muli %scan3A_26, %mul3A_28 : i32
      %add3A_30 = arith.addi %mul3A_8, %mul3A_29 : i32
      "tpu.region"() ({
        %run_scoped3A = tpu.sem_alloc : memref<!tpu.dma_semaphore, #tpu.memory_space<semaphore_mem>>
        %dma_start3A = arith.constant 0 : i32
        %dma_start3A_32 = tpu.memref_slice %arg9[%add3A_30, %dma_start3A] : memref<10240x128xf32, #tpu.memory_space<vmem_shared>> -> memref<128x128xf32, #tpu.memory_space<vmem_shared>>
        %dma_start3A_33 = arith.constant 0 : i32
        %dma_start3A_34 = tpu.memref_slice %arg9[%add3A_30, %dma_start3A_33] : memref<10240x128xf32, #tpu.memory_space<vmem_shared>> -> memref<128x128xf32, #tpu.memory_space<vmem_shared>>
        tpu.enqueue_dma source(%arg6 : memref<128x128xf32, #tpu.memory_space<vmem>>) target(%dma_start3A_34 : memref<128x128xf32, #tpu.memory_space<vmem_shared>>) target_semaphore(%run_scoped3A : memref<!tpu.dma_semaphore, #tpu.memory_space<semaphore_mem>>)
        %dma_wait3A = arith.constant 0 : i32
        %dma_wait3A_35 = tpu.memref_slice %arg9[%add3A_30, %dma_wait3A] : memref<10240x128xf32, #tpu.memory_space<vmem_shared>> -> memref<128x128xf32, #tpu.memory_space<vmem_shared>>
        %dma_wait3A_36 = arith.constant 0 : i32
        %dma_wait3A_37 = tpu.memref_slice %arg9[%add3A_30, %dma_wait3A_36] : memref<10240x128xf32, #tpu.memory_space<vmem_shared>> -> memref<128x128xf32, #tpu.memory_space<vmem_shared>>
        tpu.wait_dma2 semaphore(%run_scoped3A : memref<!tpu.dma_semaphore, #tpu.memory_space<semaphore_mem>>) src(%arg6 : memref<128x128xf32, #tpu.memory_space<vmem>>) dst(%dma_wait3A_37 : memref<128x128xf32, #tpu.memory_space<vmem_shared>>)
        tpu.yield
      }) : () -> ()
      %scan3A_31 = arith.constant 0 : i32
      scf.yield %scan3A_31 : i32
    }
    %scan3A_15 = arith.constant 5 : i32
    %barrier3A = arith.constant 0 : index
    tpu.barrier barrier_id(%barrier3A)
    %mul3A_16 = arith.constant 10112 : i32
    %mul3A_17 = arith.muli %add3A, %mul3A_16 : i32
    %scan3A_18 = arith.constant 0 : i32
    %scan3A_19 = arith.constant 0 : i32
    %scan3A_20 = arith.constant 79 : i32
    %scan3A_21 = arith.addi %scan3A_19, %scan3A_20 : i32
    %scan3A_22 = arith.constant 1 : i32
    %scan3A_23 = scf.for %scan3A_26 = %scan3A_19 to %scan3A_21 step %scan3A_22 iter_args(%scan3A_27 = %scan3A_18) -> (i32)  : i32 {
      %mul3A_28 = arith.constant 128 : i32
      %mul3A_29 = arith.muli %scan3A_26, %mul3A_28 : i32
      %add3A_30 = arith.addi %mul3A_17, %mul3A_29 : i32
      %run_scoped3A = arith.constant 0 : i32
      "tpu.region"() ({
        %run_scoped3A_46 = tpu.sem_alloc : memref<!tpu.dma_semaphore, #tpu.memory_space<semaphore_mem>>
        %dma_start3A_47 = arith.constant 0 : i32
        %dma_start3A_48 = tpu.memref_slice %arg7[%run_scoped3A, %dma_start3A_47] : memref<1x128xi32, #tpu.memory_space<vmem>> -> memref<1x128xi32, #tpu.memory_space<vmem>>
        %dma_start3A_49 = tpu.memref_squeeze %dma_start3A_48 : memref<1x128xi32, #tpu.memory_space<vmem>> -> memref<128xi32, #tpu.memory_space<vmem>>
        %dma_start3A_50 = tpu.memref_slice %arg3[%add3A_30] : memref<323584xi32, #tpu.memory_space<hbm>> -> memref<128xi32, #tpu.memory_space<hbm>>
        %dma_start3A_51 = arith.constant 0 : i32
        %dma_start3A_52 = tpu.memref_slice %arg7[%run_scoped3A, %dma_start3A_51] : memref<1x128xi32, #tpu.memory_space<vmem>> -> memref<1x128xi32, #tpu.memory_space<vmem>>
        %dma_start3A_53 = tpu.memref_squeeze %dma_start3A_52 : memref<1x128xi32, #tpu.memory_space<vmem>> -> memref<128xi32, #tpu.memory_space<vmem>>
        %dma_start3A_54 = tpu.memref_slice %arg3[%add3A_30] : memref<323584xi32, #tpu.memory_space<hbm>> -> memref<128xi32, #tpu.memory_space<hbm>>
        tpu.enqueue_dma source(%dma_start3A_54 : memref<128xi32, #tpu.memory_space<hbm>>) target(%dma_start3A_53 : memref<128xi32, #tpu.memory_space<vmem>>) target_semaphore(%run_scoped3A_46 : memref<!tpu.dma_semaphore, #tpu.memory_space<semaphore_mem>>)
        %dma_wait3A_55 = arith.constant 0 : i32
        %dma_wait3A_56 = tpu.memref_slice %arg7[%run_scoped3A, %dma_wait3A_55] : memref<1x128xi32, #tpu.memory_space<vmem>> -> memref<1x128xi32, #tpu.memory_space<vmem>>
        %dma_wait3A_57 = tpu.memref_squeeze %dma_wait3A_56 : memref<1x128xi32, #tpu.memory_space<vmem>> -> memref<128xi32, #tpu.memory_space<vmem>>
        %dma_wait3A_58 = tpu.memref_slice %arg3[%add3A_30] : memref<323584xi32, #tpu.memory_space<hbm>> -> memref<128xi32, #tpu.memory_space<hbm>>
        %dma_wait3A_59 = arith.constant 0 : i32
        %dma_wait3A_60 = tpu.memref_slice %arg7[%run_scoped3A, %dma_wait3A_59] : memref<1x128xi32, #tpu.memory_space<vmem>> -> memref<1x128xi32, #tpu.memory_space<vmem>>
        %dma_wait3A_61 = tpu.memref_squeeze %dma_wait3A_60 : memref<1x128xi32, #tpu.memory_space<vmem>> -> memref<128xi32, #tpu.memory_space<vmem>>
        %dma_wait3A_62 = tpu.memref_slice %arg3[%add3A_30] : memref<323584xi32, #tpu.memory_space<hbm>> -> memref<128xi32, #tpu.memory_space<hbm>>
        tpu.wait_dma2 semaphore(%run_scoped3A_46 : memref<!tpu.dma_semaphore, #tpu.memory_space<semaphore_mem>>) src(%dma_wait3A_62 : memref<128xi32, #tpu.memory_space<hbm>>) dst(%dma_wait3A_61 : memref<128xi32, #tpu.memory_space<vmem>>)
        tpu.yield
      }) : () -> ()
      %run_scoped3A_31 = arith.constant 0 : i32
      "tpu.region"() ({
        %run_scoped3A_46 = tpu.sem_alloc : memref<!tpu.dma_semaphore, #tpu.memory_space<semaphore_mem>>
        %dma_start3A_47 = arith.constant 0 : i32
        %dma_start3A_48 = tpu.memref_slice %arg8[%run_scoped3A_31, %dma_start3A_47] : memref<1x128xi32, #tpu.memory_space<vmem>> -> memref<1x128xi32, #tpu.memory_space<vmem>>
        %dma_start3A_49 = tpu.memref_squeeze %dma_start3A_48 : memref<1x128xi32, #tpu.memory_space<vmem>> -> memref<128xi32, #tpu.memory_space<vmem>>
        %dma_start3A_50 = tpu.memref_slice %arg4[%add3A_30] : memref<323584xi32, #tpu.memory_space<hbm>> -> memref<128xi32, #tpu.memory_space<hbm>>
        %dma_start3A_51 = arith.constant 0 : i32
        %dma_start3A_52 = tpu.memref_slice %arg8[%run_scoped3A_31, %dma_start3A_51] : memref<1x128xi32, #tpu.memory_space<vmem>> -> memref<1x128xi32, #tpu.memory_space<vmem>>
        %dma_start3A_53 = tpu.memref_squeeze %dma_start3A_52 : memref<1x128xi32, #tpu.memory_space<vmem>> -> memref<128xi32, #tpu.memory_space<vmem>>
        %dma_start3A_54 = tpu.memref_slice %arg4[%add3A_30] : memref<323584xi32, #tpu.memory_space<hbm>> -> memref<128xi32, #tpu.memory_space<hbm>>
        tpu.enqueue_dma source(%dma_start3A_54 : memref<128xi32, #tpu.memory_space<hbm>>) target(%dma_start3A_53 : memref<128xi32, #tpu.memory_space<vmem>>) target_semaphore(%run_scoped3A_46 : memref<!tpu.dma_semaphore, #tpu.memory_space<semaphore_mem>>)
        %dma_wait3A_55 = arith.constant 0 : i32
        %dma_wait3A_56 = tpu.memref_slice %arg8[%run_scoped3A_31, %dma_wait3A_55] : memref<1x128xi32, #tpu.memory_space<vmem>> -> memref<1x128xi32, #tpu.memory_space<vmem>>
        %dma_wait3A_57 = tpu.memref_squeeze %dma_wait3A_56 : memref<1x128xi32, #tpu.memory_space<vmem>> -> memref<128xi32, #tpu.memory_space<vmem>>
        %dma_wait3A_58 = tpu.memref_slice %arg4[%add3A_30] : memref<323584xi32, #tpu.memory_space<hbm>> -> memref<128xi32, #tpu.memory_space<hbm>>
        %dma_wait3A_59 = arith.constant 0 : i32
        %dma_wait3A_60 = tpu.memref_slice %arg8[%run_scoped3A_31, %dma_wait3A_59] : memref<1x128xi32, #tpu.memory_space<vmem>> -> memref<1x128xi32, #tpu.memory_space<vmem>>
        %dma_wait3A_61 = tpu.memref_squeeze %dma_wait3A_60 : memref<1x128xi32, #tpu.memory_space<vmem>> -> memref<128xi32, #tpu.memory_space<vmem>>
        %dma_wait3A_62 = tpu.memref_slice %arg4[%add3A_30] : memref<323584xi32, #tpu.memory_space<hbm>> -> memref<128xi32, #tpu.memory_space<hbm>>
        tpu.wait_dma2 semaphore(%run_scoped3A_46 : memref<!tpu.dma_semaphore, #tpu.memory_space<semaphore_mem>>) src(%dma_wait3A_62 : memref<128xi32, #tpu.memory_space<hbm>>) dst(%dma_wait3A_61 : memref<128xi32, #tpu.memory_space<vmem>>)
        tpu.yield
      }) : () -> ()
      %dma_start3A = arith.constant 0 : i32
      %dma_start3A_32 = arith.constant 0 : i32
      %dma_start3A_33 = tpu.memref_slice %arg7[%dma_start3A, %dma_start3A_32] : memref<1x128xi32, #tpu.memory_space<vmem>> -> memref<1x128xi32, #tpu.memory_space<vmem>>
      %dma_start3A_34 = tpu.memref_squeeze %dma_start3A_33 : memref<1x128xi32, #tpu.memory_space<vmem>> -> memref<128xi32, #tpu.memory_space<vmem>>
      %dma_start3A_35 = arith.constant 0 : i32
      %dma_start3A_36 = arith.constant 0 : i32
      %dma_start3A_37 = tpu.memref_slice %arg2[%dma_start3A_35, %dma_start3A_36] : memref<10000x128xf32, #tpu.memory_space<hbm>> -> memref<10000x128xf32, #tpu.memory_space<hbm>>
      tpu.enqueue_indirect_dma source(%dma_start3A_37 : memref<10000x128xf32, #tpu.memory_space<hbm>>) target(%arg6 : memref<128x128xf32, #tpu.memory_space<vmem>>) offsets(%dma_start3A_34 : memref<128xi32, #tpu.memory_space<vmem>>) semaphore(%arg10 : memref<!tpu.dma_semaphore, #tpu.memory_space<semaphore_mem>>)
      %dma_wait3A = arith.constant 0 : i32
      %dma_wait3A_38 = arith.constant 0 : i32
      %dma_wait3A_39 = tpu.memref_slice %arg7[%dma_wait3A, %dma_wait3A_38] : memref<1x128xi32, #tpu.memory_space<vmem>> -> memref<1x128xi32, #tpu.memory_space<vmem>>
      %dma_wait3A_40 = tpu.memref_squeeze %dma_wait3A_39 : memref<1x128xi32, #tpu.memory_space<vmem>> -> memref<128xi32, #tpu.memory_space<vmem>>
      %dma_wait3A_41 = arith.constant 0 : i32
      %dma_wait3A_42 = arith.constant 0 : i32
      %dma_wait3A_43 = tpu.memref_slice %arg2[%dma_wait3A_41, %dma_wait3A_42] : memref<10000x128xf32, #tpu.memory_space<hbm>> -> memref<10000x128xf32, #tpu.memory_space<hbm>>
      tpu.wait_indirect_dma semaphore(%arg10 : memref<!tpu.dma_semaphore, #tpu.memory_space<semaphore_mem>>) src(%dma_wait3A_43 : memref<10000x128xf32, #tpu.memory_space<hbm>>) dst(%arg6 : memref<128x128xf32, #tpu.memory_space<vmem>>)
      %run_scoped3A_44 = arith.constant 0 : i32
      "tpu.region"() ({
        %run_scoped3A_46 = tpu.sem_alloc : memref<!tpu.dma_semaphore, #tpu.memory_space<semaphore_mem>>
        %dma_start3A_47 = arith.constant 0 : i32
        %dma_start3A_48 = tpu.memref_slice %arg8[%run_scoped3A_44, %dma_start3A_47] : memref<1x128xi32, #tpu.memory_space<vmem>> -> memref<1x128xi32, #tpu.memory_space<vmem>>
        %dma_start3A_49 = tpu.memref_squeeze %dma_start3A_48 : memref<1x128xi32, #tpu.memory_space<vmem>> -> memref<128xi32, #tpu.memory_space<vmem>>
        %dma_start3A_50 = arith.constant 0 : i32
        %dma_start3A_51 = arith.constant 0 : i32
        %dma_start3A_52 = tpu.memref_slice %arg9[%dma_start3A_50, %dma_start3A_51] : memref<10240x128xf32, #tpu.memory_space<vmem_shared>> -> memref<10240x128xf32, #tpu.memory_space<vmem_shared>>
        tpu.enqueue_indirect_dma source(%arg6 : memref<128x128xf32, #tpu.memory_space<vmem>>) target(%dma_start3A_52 : memref<10240x128xf32, #tpu.memory_space<vmem_shared>>) offsets(%dma_start3A_49 : memref<128xi32, #tpu.memory_space<vmem>>) semaphore(%run_scoped3A_46 : memref<!tpu.dma_semaphore, #tpu.memory_space<semaphore_mem>>) {add = true}
        %dma_wait3A_53 = arith.constant 0 : i32
        %dma_wait3A_54 = tpu.memref_slice %arg8[%run_scoped3A_44, %dma_wait3A_53] : memref<1x128xi32, #tpu.memory_space<vmem>> -> memref<1x128xi32, #tpu.memory_space<vmem>>
        %dma_wait3A_55 = tpu.memref_squeeze %dma_wait3A_54 : memref<1x128xi32, #tpu.memory_space<vmem>> -> memref<128xi32, #tpu.memory_space<vmem>>
        %dma_wait3A_56 = arith.constant 0 : i32
        %dma_wait3A_57 = arith.constant 0 : i32
        %dma_wait3A_58 = tpu.memref_slice %arg9[%dma_wait3A_56, %dma_wait3A_57] : memref<10240x128xf32, #tpu.memory_space<vmem_shared>> -> memref<10240x128xf32, #tpu.memory_space<vmem_shared>>
        tpu.wait_indirect_dma semaphore(%run_scoped3A_46 : memref<!tpu.dma_semaphore, #tpu.memory_space<semaphore_mem>>) src(%arg6 : memref<128x128xf32, #tpu.memory_space<vmem>>) dst(%dma_wait3A_58 : memref<10240x128xf32, #tpu.memory_space<vmem_shared>>)
        tpu.yield
      }) : () -> ()
      %scan3A_45 = arith.constant 0 : i32
      scf.yield %scan3A_45 : i32
    }
    %scan3A_24 = arith.constant 79 : i32
    %barrier3A_25 = arith.constant 0 : index
    tpu.barrier barrier_id(%barrier3A_25)
    "tpu.region"() ({
      %run_scoped3A = tpu.sem_alloc : memref<!tpu.dma_semaphore, #tpu.memory_space<semaphore_mem>>
      %dma_start3A = arith.constant 0 : i32
      %dma_start3A_26 = tpu.memref_slice %arg5[%arg0, %mul3A_8, %dma_start3A] : memref<2x10240x128xf32, #tpu.memory_space<hbm>> -> memref<1x640x128xf32, #tpu.memory_space<hbm>>
      %dma_start3A_27 = tpu.memref_squeeze %dma_start3A_26 : memref<1x640x128xf32, #tpu.memory_space<hbm>> -> memref<640x128xf32, #tpu.memory_space<hbm>>
      %dma_start3A_28 = arith.constant 0 : i32
      %dma_start3A_29 = tpu.memref_slice %arg9[%mul3A_8, %dma_start3A_28] : memref<10240x128xf32, #tpu.memory_space<vmem_shared>> -> memref<640x128xf32, #tpu.memory_space<vmem_shared>>
      tpu.enqueue_dma source(%dma_start3A_29 : memref<640x128xf32, #tpu.memory_space<vmem_shared>>) target(%dma_start3A_27 : memref<640x128xf32, #tpu.memory_space<hbm>>) target_semaphore(%run_scoped3A : memref<!tpu.dma_semaphore, #tpu.memory_space<semaphore_mem>>)
      %dma_wait3A = arith.constant 0 : i32
      %dma_wait3A_30 = tpu.memref_slice %arg5[%arg0, %mul3A_8, %dma_wait3A] : memref<2x10240x128xf32, #tpu.memory_space<hbm>> -> memref<1x640x128xf32, #tpu.memory_space<hbm>>
      %dma_wait3A_31 = tpu.memref_squeeze %dma_wait3A_30 : memref<1x640x128xf32, #tpu.memory_space<hbm>> -> memref<640x128xf32, #tpu.memory_space<hbm>>
      %dma_wait3A_32 = arith.constant 0 : i32
      %dma_wait3A_33 = tpu.memref_slice %arg9[%mul3A_8, %dma_wait3A_32] : memref<10240x128xf32, #tpu.memory_space<vmem_shared>> -> memref<640x128xf32, #tpu.memory_space<vmem_shared>>
      tpu.wait_dma2 semaphore(%run_scoped3A : memref<!tpu.dma_semaphore, #tpu.memory_space<semaphore_mem>>) src(%dma_wait3A_33 : memref<640x128xf32, #tpu.memory_space<vmem_shared>>) dst(%dma_wait3A_31 : memref<640x128xf32, #tpu.memory_space<hbm>>)
      tpu.yield
    }) : () -> ()
    return
  }
}

module attributes {stable_mosaic.version = 14 : i64} {
  func.func @body(%arg0: memref<2x10240x16xf32, #tpu.memory_space<vmem>>, %arg1: memref<2x10240x128xf32, #tpu.memory_space<vmem>>, %arg2: memref<10000x128xf32, #tpu.memory_space<vmem>>, %arg3: memref<1x128xf32, #tpu.memory_space<vmem>>, %arg4: memref<1x128xf32, #tpu.memory_space<vmem>>, %arg5: memref<1x128xf32, #tpu.memory_space<vmem>>, %arg6: memref<128x128xf32, #tpu.memory_space<vmem>>, %arg7: memref<10000x128xf32, #tpu.memory_space<vmem>>) attributes {dimension_semantics = [], scalar_prefetch = 0 : i64, scratch_operands = 0 : i64, tpu.core_type = #tpu.core_type<tc>} {
    %get3A = arith.constant 0 : index
    %get3A_0 = arith.constant 0 : index
    %get3A_1 = arith.constant 0 : index
    %get3A_2 = vector.load %arg0[%get3A, %get3A_0, %get3A_1] : memref<2x10240x16xf32, #tpu.memory_space<vmem>>, vector<2x10240x16xf32>
    %slice3A = vector.extract_strided_slice %get3A_2 {offsets = [0, 0, 0], sizes = [1, 10000, 1], strides = [1, 1, 1]} : vector<2x10240x16xf32> to vector<1x10000x1xf32>
    %squeeze3A = vector.shape_cast %slice3A : vector<1x10000x1xf32> to vector<10000x1xf32>
    %slice3A_3 = vector.extract_strided_slice %get3A_2 {offsets = [1, 0, 0], sizes = [1, 10000, 1], strides = [1, 1, 1]} : vector<2x10240x16xf32> to vector<1x10000x1xf32>
    %squeeze3A_4 = vector.shape_cast %slice3A_3 : vector<1x10000x1xf32> to vector<10000x1xf32>
    %add3A = arith.addf %squeeze3A, %squeeze3A_4 : vector<10000x1xf32>
    %add3A_5 = arith.constant 1.000000e+00 : f32
    %add3A_6 = vector.broadcast %add3A_5 : f32 to vector<10000x1xf32>
    %add3A_7 = arith.addf %add3A, %add3A_6 : vector<10000x1xf32>
    %rsqrt3A = math.rsqrt %add3A_7 : vector<10000x1xf32>
    %get3A_8 = arith.constant 0 : index
    %get3A_9 = arith.constant 0 : index
    %get3A_10 = arith.constant 0 : index
    %get3A_11 = vector.load %arg1[%get3A_8, %get3A_9, %get3A_10] : memref<2x10240x128xf32, #tpu.memory_space<vmem>>, vector<2x10240x128xf32>
    %slice3A_12 = vector.extract_strided_slice %get3A_11 {offsets = [0, 0, 0], sizes = [1, 10000, 128], strides = [1, 1, 1]} : vector<2x10240x128xf32> to vector<1x10000x128xf32>
    %squeeze3A_13 = vector.shape_cast %slice3A_12 : vector<1x10000x128xf32> to vector<10000x128xf32>
    %slice3A_14 = vector.extract_strided_slice %get3A_11 {offsets = [1, 0, 0], sizes = [1, 10000, 128], strides = [1, 1, 1]} : vector<2x10240x128xf32> to vector<1x10000x128xf32>
    %squeeze3A_15 = vector.shape_cast %slice3A_14 : vector<1x10000x128xf32> to vector<10000x128xf32>
    %add3A_16 = arith.addf %squeeze3A_13, %squeeze3A_15 : vector<10000x128xf32>
    %get3A_17 = arith.constant 0 : index
    %get3A_18 = arith.constant 0 : index
    %get3A_19 = vector.load %arg2[%get3A_17, %get3A_18] : memref<10000x128xf32, #tpu.memory_space<vmem>>, vector<10000x128xf32>
    %add3A_20 = arith.addf %add3A_16, %get3A_19 : vector<10000x128xf32>
    %mul3A = vector.broadcast %rsqrt3A : vector<10000x1xf32> to vector<10000x128xf32>
    %mul3A_21 = arith.mulf %add3A_20, %mul3A : vector<10000x128xf32>
    %get3A_22 = arith.constant 0 : index
    %get3A_23 = arith.constant 0 : index
    %get3A_24 = vector.load %arg3[%get3A_22, %get3A_23] : memref<1x128xf32, #tpu.memory_space<vmem>>, vector<1x128xf32>
    %add3A_25 = vector.broadcast %get3A_24 : vector<1x128xf32> to vector<10000x128xf32>
    %add3A_26 = arith.addf %mul3A_21, %add3A_25 : vector<10000x128xf32>
    %max3A = arith.constant 0.000000e+00 : f32
    %max3A_27 = vector.broadcast %max3A : f32 to vector<10000x128xf32>
    %max3A_28 = arith.maximumf %add3A_26, %max3A_27 : vector<10000x128xf32>
    %reduce_sum3A = arith.constant dense<0.000000e+00> : vector<128xf32>
    %reduce_sum3A_29 = vector.multi_reduction <add>, %max3A_28, %reduce_sum3A [0] : vector<10000x128xf32> to vector<128xf32>
    %broadcast_in_dim3A = vector.shape_cast %reduce_sum3A_29 : vector<128xf32> to vector<1x128xf32>
    %div3A = arith.constant 1.000000e+04 : f32
    %div3A_30 = vector.broadcast %div3A : f32 to vector<1x128xf32>
    %div3A_31 = arith.divf %broadcast_in_dim3A, %div3A_30 : vector<1x128xf32>
    %sub3A = vector.broadcast %div3A_31 : vector<1x128xf32> to vector<10000x128xf32>
    %sub3A_32 = arith.subf %max3A_28, %sub3A : vector<10000x128xf32>
    %sub3A_33 = vector.broadcast %div3A_31 : vector<1x128xf32> to vector<10000x128xf32>
    %sub3A_34 = arith.subf %max3A_28, %sub3A_33 : vector<10000x128xf32>
    %mul3A_35 = arith.mulf %sub3A_32, %sub3A_34 : vector<10000x128xf32>
    %reduce_sum3A_36 = arith.constant dense<0.000000e+00> : vector<128xf32>
    %reduce_sum3A_37 = vector.multi_reduction <add>, %mul3A_35, %reduce_sum3A_36 [0] : vector<10000x128xf32> to vector<128xf32>
    %broadcast_in_dim3A_38 = vector.shape_cast %reduce_sum3A_37 : vector<128xf32> to vector<1x128xf32>
    %div3A_39 = arith.constant 1.000000e+04 : f32
    %div3A_40 = vector.broadcast %div3A_39 : f32 to vector<1x128xf32>
    %div3A_41 = arith.divf %broadcast_in_dim3A_38, %div3A_40 : vector<1x128xf32>
    %get3A_42 = arith.constant 0 : index
    %get3A_43 = arith.constant 0 : index
    %get3A_44 = vector.load %arg4[%get3A_42, %get3A_43] : memref<1x128xf32, #tpu.memory_space<vmem>>, vector<1x128xf32>
    %sub3A_45 = vector.broadcast %div3A_31 : vector<1x128xf32> to vector<10000x128xf32>
    %sub3A_46 = arith.subf %max3A_28, %sub3A_45 : vector<10000x128xf32>
    %mul3A_47 = vector.broadcast %get3A_44 : vector<1x128xf32> to vector<10000x128xf32>
    %mul3A_48 = arith.mulf %mul3A_47, %sub3A_46 : vector<10000x128xf32>
    %add3A_49 = arith.constant 9.99999974E-6 : f32
    %add3A_50 = vector.broadcast %add3A_49 : f32 to vector<1x128xf32>
    %add3A_51 = arith.addf %div3A_41, %add3A_50 : vector<1x128xf32>
    %rsqrt3A_52 = math.rsqrt %add3A_51 : vector<1x128xf32>
    %mul3A_53 = vector.broadcast %rsqrt3A_52 : vector<1x128xf32> to vector<10000x128xf32>
    %mul3A_54 = arith.mulf %mul3A_48, %mul3A_53 : vector<10000x128xf32>
    %get3A_55 = arith.constant 0 : index
    %get3A_56 = arith.constant 0 : index
    %get3A_57 = vector.load %arg5[%get3A_55, %get3A_56] : memref<1x128xf32, #tpu.memory_space<vmem>>, vector<1x128xf32>
    %add3A_58 = vector.broadcast %get3A_57 : vector<1x128xf32> to vector<10000x128xf32>
    %add3A_59 = arith.addf %mul3A_54, %add3A_58 : vector<10000x128xf32>
    %get3A_60 = arith.constant 0 : index
    %get3A_61 = arith.constant 0 : index
    %get3A_62 = vector.load %arg6[%get3A_60, %get3A_61] : memref<128x128xf32, #tpu.memory_space<vmem>>, vector<128x128xf32>
    %dot_general3A = arith.constant dense<0.000000e+00> : vector<10000x128xf32>
    %dot_general3A_63 = tpu.matmul %add3A_59, %get3A_62, %dot_general3A {dimension_numbers = #tpu.dot_dimension_numbers<[1], [0], [0], [1], [0, 0, 1, 1], [], []>, transpose_lhs_hint = false} : vector<10000x128xf32>, vector<128x128xf32>, vector<10000x128xf32> -> vector<10000x128xf32>
    %mul3A_64 = vector.broadcast %rsqrt3A : vector<10000x1xf32> to vector<10000x128xf32>
    %mul3A_65 = arith.mulf %dot_general3A_63, %mul3A_64 : vector<10000x128xf32>
    %swap3A = arith.constant 0 : index
    %swap3A_66 = arith.constant 0 : index
    %swap3A_67 = vector.load %arg7[%swap3A, %swap3A_66] : memref<10000x128xf32, #tpu.memory_space<vmem>>, vector<10000x128xf32>
    tpu.vector_store %arg7[%swap3A, %swap3A_66], %mul3A_65 {strides = array<i32>} : memref<10000x128xf32, #tpu.memory_space<vmem>>, vector<10000x128xf32>,
    return
  }
}

module attributes {stable_mosaic.version = 14 : i64} {
  func.func @body(%arg0: memref<2x10240x16xf32, #tpu.memory_space<vmem>>, %arg1: memref<10000x128xf32, #tpu.memory_space<vmem>>, %arg2: memref<128x128xf32, #tpu.memory_space<vmem>>, %arg3: memref<10000x128xf32, #tpu.memory_space<vmem>>) attributes {dimension_semantics = [], scalar_prefetch = 0 : i64, scratch_operands = 0 : i64, tpu.core_type = #tpu.core_type<tc>} {
    %get3A = arith.constant 0 : index
    %get3A_0 = arith.constant 0 : index
    %get3A_1 = arith.constant 0 : index
    %get3A_2 = vector.load %arg0[%get3A, %get3A_0, %get3A_1] : memref<2x10240x16xf32, #tpu.memory_space<vmem>>, vector<2x10240x16xf32>
    %slice3A = vector.extract_strided_slice %get3A_2 {offsets = [0, 0, 0], sizes = [1, 10000, 1], strides = [1, 1, 1]} : vector<2x10240x16xf32> to vector<1x10000x1xf32>
    %squeeze3A = vector.shape_cast %slice3A : vector<1x10000x1xf32> to vector<10000x1xf32>
    %slice3A_3 = vector.extract_strided_slice %get3A_2 {offsets = [1, 0, 0], sizes = [1, 10000, 1], strides = [1, 1, 1]} : vector<2x10240x16xf32> to vector<1x10000x1xf32>
    %squeeze3A_4 = vector.shape_cast %slice3A_3 : vector<1x10000x1xf32> to vector<10000x1xf32>
    %add3A = arith.addf %squeeze3A, %squeeze3A_4 : vector<10000x1xf32>
    %add3A_5 = arith.constant 1.000000e+00 : f32
    %add3A_6 = vector.broadcast %add3A_5 : f32 to vector<10000x1xf32>
    %add3A_7 = arith.addf %add3A, %add3A_6 : vector<10000x1xf32>
    %rsqrt3A = math.rsqrt %add3A_7 : vector<10000x1xf32>
    %get3A_8 = arith.constant 0 : index
    %get3A_9 = arith.constant 0 : index
    %get3A_10 = vector.load %arg1[%get3A_8, %get3A_9] : memref<10000x128xf32, #tpu.memory_space<vmem>>, vector<10000x128xf32>
    %get3A_11 = arith.constant 0 : index
    %get3A_12 = arith.constant 0 : index
    %get3A_13 = vector.load %arg2[%get3A_11, %get3A_12] : memref<128x128xf32, #tpu.memory_space<vmem>>, vector<128x128xf32>
    %dot_general3A = arith.constant dense<0.000000e+00> : vector<10000x128xf32>
    %dot_general3A_14 = tpu.matmul %get3A_10, %get3A_13, %dot_general3A {dimension_numbers = #tpu.dot_dimension_numbers<[1], [0], [0], [1], [0, 0, 1, 1], [], []>, transpose_lhs_hint = false} : vector<10000x128xf32>, vector<128x128xf32>, vector<10000x128xf32> -> vector<10000x128xf32>
    %mul3A = vector.broadcast %rsqrt3A : vector<10000x1xf32> to vector<10000x128xf32>
    %mul3A_15 = arith.mulf %dot_general3A_14, %mul3A : vector<10000x128xf32>
    %swap3A = arith.constant 0 : index
    %swap3A_16 = arith.constant 0 : index
    %swap3A_17 = vector.load %arg3[%swap3A, %swap3A_16] : memref<10000x128xf32, #tpu.memory_space<vmem>>, vector<10000x128xf32>
    tpu.vector_store %arg3[%swap3A, %swap3A_16], %mul3A_15 {strides = array<i32>} : memref<10000x128xf32, #tpu.memory_space<vmem>>, vector<10000x128xf32>,
    return
  }
}

module attributes {stable_mosaic.version = 14 : i64} {
  func.func @body(%arg0: memref<2x10240x16xf32, #tpu.memory_space<vmem>>, %arg1: memref<2x10240x128xf32, #tpu.memory_space<vmem>>, %arg2: memref<10000x128xf32, #tpu.memory_space<vmem>>, %arg3: memref<1x128xf32, #tpu.memory_space<vmem>>, %arg4: memref<1x128xf32, #tpu.memory_space<vmem>>, %arg5: memref<1x128xf32, #tpu.memory_space<vmem>>, %arg6: memref<128x128xf32, #tpu.memory_space<vmem>>, %arg7: memref<1x128xf32, #tpu.memory_space<vmem>>, %arg8: memref<10000x128xf32, #tpu.memory_space<vmem>>) attributes {dimension_semantics = [], scalar_prefetch = 0 : i64, scratch_operands = 0 : i64, tpu.core_type = #tpu.core_type<tc>} {
    %get3A = arith.constant 0 : index
    %get3A_0 = arith.constant 0 : index
    %get3A_1 = arith.constant 0 : index
    %get3A_2 = vector.load %arg0[%get3A, %get3A_0, %get3A_1] : memref<2x10240x16xf32, #tpu.memory_space<vmem>>, vector<2x10240x16xf32>
    %slice3A = vector.extract_strided_slice %get3A_2 {offsets = [0, 0, 0], sizes = [1, 10000, 1], strides = [1, 1, 1]} : vector<2x10240x16xf32> to vector<1x10000x1xf32>
    %squeeze3A = vector.shape_cast %slice3A : vector<1x10000x1xf32> to vector<10000x1xf32>
    %slice3A_3 = vector.extract_strided_slice %get3A_2 {offsets = [1, 0, 0], sizes = [1, 10000, 1], strides = [1, 1, 1]} : vector<2x10240x16xf32> to vector<1x10000x1xf32>
    %squeeze3A_4 = vector.shape_cast %slice3A_3 : vector<1x10000x1xf32> to vector<10000x1xf32>
    %add3A = arith.addf %squeeze3A, %squeeze3A_4 : vector<10000x1xf32>
    %add3A_5 = arith.constant 1.000000e+00 : f32
    %add3A_6 = vector.broadcast %add3A_5 : f32 to vector<10000x1xf32>
    %add3A_7 = arith.addf %add3A, %add3A_6 : vector<10000x1xf32>
    %rsqrt3A = math.rsqrt %add3A_7 : vector<10000x1xf32>
    %get3A_8 = arith.constant 0 : index
    %get3A_9 = arith.constant 0 : index
    %get3A_10 = arith.constant 0 : index
    %get3A_11 = vector.load %arg1[%get3A_8, %get3A_9, %get3A_10] : memref<2x10240x128xf32, #tpu.memory_space<vmem>>, vector<2x10240x128xf32>
    %slice3A_12 = vector.extract_strided_slice %get3A_11 {offsets = [0, 0, 0], sizes = [1, 10000, 128], strides = [1, 1, 1]} : vector<2x10240x128xf32> to vector<1x10000x128xf32>
    %squeeze3A_13 = vector.shape_cast %slice3A_12 : vector<1x10000x128xf32> to vector<10000x128xf32>
    %slice3A_14 = vector.extract_strided_slice %get3A_11 {offsets = [1, 0, 0], sizes = [1, 10000, 128], strides = [1, 1, 1]} : vector<2x10240x128xf32> to vector<1x10000x128xf32>
    %squeeze3A_15 = vector.shape_cast %slice3A_14 : vector<1x10000x128xf32> to vector<10000x128xf32>
    %add3A_16 = arith.addf %squeeze3A_13, %squeeze3A_15 : vector<10000x128xf32>
    %get3A_17 = arith.constant 0 : index
    %get3A_18 = arith.constant 0 : index
    %get3A_19 = vector.load %arg2[%get3A_17, %get3A_18] : memref<10000x128xf32, #tpu.memory_space<vmem>>, vector<10000x128xf32>
    %add3A_20 = arith.addf %add3A_16, %get3A_19 : vector<10000x128xf32>
    %mul3A = vector.broadcast %rsqrt3A : vector<10000x1xf32> to vector<10000x128xf32>
    %mul3A_21 = arith.mulf %add3A_20, %mul3A : vector<10000x128xf32>
    %get3A_22 = arith.constant 0 : index
    %get3A_23 = arith.constant 0 : index
    %get3A_24 = vector.load %arg3[%get3A_22, %get3A_23] : memref<1x128xf32, #tpu.memory_space<vmem>>, vector<1x128xf32>
    %add3A_25 = vector.broadcast %get3A_24 : vector<1x128xf32> to vector<10000x128xf32>
    %add3A_26 = arith.addf %mul3A_21, %add3A_25 : vector<10000x128xf32>
    %max3A = arith.constant 0.000000e+00 : f32
    %max3A_27 = vector.broadcast %max3A : f32 to vector<10000x128xf32>
    %max3A_28 = arith.maximumf %add3A_26, %max3A_27 : vector<10000x128xf32>
    %reduce_sum3A = arith.constant dense<0.000000e+00> : vector<128xf32>
    %reduce_sum3A_29 = vector.multi_reduction <add>, %max3A_28, %reduce_sum3A [0] : vector<10000x128xf32> to vector<128xf32>
    %broadcast_in_dim3A = vector.shape_cast %reduce_sum3A_29 : vector<128xf32> to vector<1x128xf32>
    %div3A = arith.constant 1.000000e+04 : f32
    %div3A_30 = vector.broadcast %div3A : f32 to vector<1x128xf32>
    %div3A_31 = arith.divf %broadcast_in_dim3A, %div3A_30 : vector<1x128xf32>
    %sub3A = vector.broadcast %div3A_31 : vector<1x128xf32> to vector<10000x128xf32>
    %sub3A_32 = arith.subf %max3A_28, %sub3A : vector<10000x128xf32>
    %sub3A_33 = vector.broadcast %div3A_31 : vector<1x128xf32> to vector<10000x128xf32>
    %sub3A_34 = arith.subf %max3A_28, %sub3A_33 : vector<10000x128xf32>
    %mul3A_35 = arith.mulf %sub3A_32, %sub3A_34 : vector<10000x128xf32>
    %reduce_sum3A_36 = arith.constant dense<0.000000e+00> : vector<128xf32>
    %reduce_sum3A_37 = vector.multi_reduction <add>, %mul3A_35, %reduce_sum3A_36 [0] : vector<10000x128xf32> to vector<128xf32>
    %broadcast_in_dim3A_38 = vector.shape_cast %reduce_sum3A_37 : vector<128xf32> to vector<1x128xf32>
    %div3A_39 = arith.constant 1.000000e+04 : f32
    %div3A_40 = vector.broadcast %div3A_39 : f32 to vector<1x128xf32>
    %div3A_41 = arith.divf %broadcast_in_dim3A_38, %div3A_40 : vector<1x128xf32>
    %get3A_42 = arith.constant 0 : index
    %get3A_43 = arith.constant 0 : index
    %get3A_44 = vector.load %arg4[%get3A_42, %get3A_43] : memref<1x128xf32, #tpu.memory_space<vmem>>, vector<1x128xf32>
    %sub3A_45 = vector.broadcast %div3A_31 : vector<1x128xf32> to vector<10000x128xf32>
    %sub3A_46 = arith.subf %max3A_28, %sub3A_45 : vector<10000x128xf32>
    %mul3A_47 = vector.broadcast %get3A_44 : vector<1x128xf32> to vector<10000x128xf32>
    %mul3A_48 = arith.mulf %mul3A_47, %sub3A_46 : vector<10000x128xf32>
    %add3A_49 = arith.constant 9.99999974E-6 : f32
    %add3A_50 = vector.broadcast %add3A_49 : f32 to vector<1x128xf32>
    %add3A_51 = arith.addf %div3A_41, %add3A_50 : vector<1x128xf32>
    %rsqrt3A_52 = math.rsqrt %add3A_51 : vector<1x128xf32>
    %mul3A_53 = vector.broadcast %rsqrt3A_52 : vector<1x128xf32> to vector<10000x128xf32>
    %mul3A_54 = arith.mulf %mul3A_48, %mul3A_53 : vector<10000x128xf32>
    %get3A_55 = arith.constant 0 : index
    %get3A_56 = arith.constant 0 : index
    %get3A_57 = vector.load %arg5[%get3A_55, %get3A_56] : memref<1x128xf32, #tpu.memory_space<vmem>>, vector<1x128xf32>
    %add3A_58 = vector.broadcast %get3A_57 : vector<1x128xf32> to vector<10000x128xf32>
    %add3A_59 = arith.addf %mul3A_54, %add3A_58 : vector<10000x128xf32>
    %get3A_60 = arith.constant 0 : index
    %get3A_61 = arith.constant 0 : index
    %get3A_62 = vector.load %arg6[%get3A_60, %get3A_61] : memref<128x128xf32, #tpu.memory_space<vmem>>, vector<128x128xf32>
    %dot_general3A = arith.constant dense<0.000000e+00> : vector<10000x128xf32>
    %dot_general3A_63 = tpu.matmul %add3A_59, %get3A_62, %dot_general3A {dimension_numbers = #tpu.dot_dimension_numbers<[1], [0], [0], [1], [0, 0, 1, 1], [], []>, transpose_lhs_hint = false} : vector<10000x128xf32>, vector<128x128xf32>, vector<10000x128xf32> -> vector<10000x128xf32>
    %get3A_64 = arith.constant 0 : index
    %get3A_65 = arith.constant 0 : index
    %get3A_66 = vector.load %arg7[%get3A_64, %get3A_65] : memref<1x128xf32, #tpu.memory_space<vmem>>, vector<1x128xf32>
    %add3A_67 = vector.broadcast %get3A_66 : vector<1x128xf32> to vector<10000x128xf32>
    %add3A_68 = arith.addf %dot_general3A_63, %add3A_67 : vector<10000x128xf32>
    %swap3A = arith.constant 0 : index
    %swap3A_69 = arith.constant 0 : index
    %swap3A_70 = vector.load %arg8[%swap3A, %swap3A_69] : memref<10000x128xf32, #tpu.memory_space<vmem>>, vector<10000x128xf32>
    tpu.vector_store %arg8[%swap3A, %swap3A_69], %add3A_68 {strides = array<i32>} : memref<10000x128xf32, #tpu.memory_space<vmem>>, vector<10000x128xf32>,
    return
  }
}

</mosaic_0001>

<sc_bundles>
// kernel: kernel.10.cloned.1.call-start
scs
__scs_entry_jumppad:
0x0: {  	(pc) =	sbr.rel $0x88, $3  }
0x1: {  	(tag) =	ssettag $0x0;
	lr =	simm.s32 $0x1  }
0x2: {  	[smem:$0x3F91] =	sst lr;
	_ =	strace $0xD0000000  }
0x3: {  	_ = 	snop  }
0x4: {  	_ = 	snop  }
0x5: {  	_ = 	snop  }
0x6: {  	_ = 	snop  }
0x7: {  	_ = 	snop  }
__scs_overlays_trampoline_lowered:
0x8: {  	[smem:$0x3FA0] =	sst s0  }
0x9: {  	[smem:$0x3FA1] =	sst s1  }
0xa: {  	[smem:$0x3FA2] =	sst s2  }
0xb: {  	[smem:$0x3FA3] =	sst s3  }
0xc: {  	[smem:$0x3FA4] =	sst s4  }
0xd: {  	[smem:$0x3FA5] =	sst s5  }
0xe: {  	[smem:$0x3FA6] =	sst s6  }
0xf: {  	[smem:$0x3FA7] =	sst s7  }
0x10: {  	[smem:$0x3FA8] =	sst s8  }
0x11: {  	[smem:$0x3FA9] =	sst s9;
	s0 =	simm.s32 @!p0 $0x0  }
0x12: {  	s1 =	sld [smem:$0x3F8F];
	s0 =	simm.s32 @p0 $0x1  }
0x13: {  	[smem:$0x3FAA] =	sst s0;
	s0 =	simm.s32 @!p1 $0x0  }
0x14: {  	s2 =	sld [smem:$0x3F8E];
	s0 =	simm.s32 @p1 $0x1  }
0x15: {  	[smem:$0x3FAB] =	sst s0;
	s0 =	simm.s32 @!p2 $0x0  }
0x16: {  	s3 =	sld [smem:$0x3FDB];
	s0 =	simm.s32 @p2 $0x1  }
0x17: {  	s4 =	simm.s32 $0x1BF5;
	[smem:$0x3FAD] =	sst s0  }
0x18: {  	s0 =	sld [smem:$0x3F90];
	_ =	swait.ge [sflag:s4], $0x0  }
0x19: {  	s7 =	sld [smem:$0x3F91]  }
0x1a: {  	s8 =	sadd.s32 $0xFFFFE003, lr  }
0x1b: {  	s9 =	sadd.s32 $0xFFFFFEF7, lr;
	s5 =	simm.s32 $0xFFFFFFFF;
	p2 =	slt.u32 s8, $0xFFFFF086  }
0x1c: {  	p1 =	slt.u32 s9, $0xF7A;
	s5 =	simm.s32 @!p2 $0x0  }
0x1d: {  	s5 =	simm.s32 @p1 $0x1;
	p0 =	seq.s32 s7, s2  }
0x1e: {  	s7 =	smul.u32 @!p0 $0xF7A, s2;
	p2 =	seq.s32 @!p0 s5, $0x0  }
0x1f: {  	s9 =	smul.u32 $0xF7A, s1;
	s8 =	simm.s32 @!p0 $0x1BF5;
	p2 =	por !p2, p0  }
0x20: {  	[sflag:s8] =	ssyncset.s32 @!p0 $0xFFFFF086;
	s6 =	sadd.s32 @!p0 s3, s7;
	s7 =	simm.s32 @!p0 $0x108  }
0x21: {  	s3 =	sadd.s32 s3, s9;
	s6 =	sadd.s32 @!p0 $0x88, s6;
	s7 =	simm.s32 @p2 $0x1082  }
0x22: {  	[simem:s7], [sflag:s8] =	dma.local @!p0 [hbm:s6], $0xF7A  }
0x23: {  	s9 =	sor.u32 $0xD0000000, s2;
	s6 =	simm.s32 $0x108;
	_ =	swait.ge @!p0 [sflag:s8], $0x0  }
0x24: {  	s3 =	sadd.s32 $0x88, s3;
	s6 =	simm.s32 @!p1 $0x1082;
	[sflag:s4] =	ssyncset.s32 $0xFFFFF086  }
0x25: {  	[simem:s6], [sflag:s4] =	dma.local [hbm:s3], $0xF7A  }
0x26: {  	[smem:$0x3F91] =	sst s1;
	(tag) =	ssettag s2;
	_ =	strace s9  }
0x27: {  	s1 =	sld [smem:$0x3FA1]  }
0x28: {  	s2 =	sld [smem:$0x3FA2]  }
0x29: {  	s4 =	sld [smem:$0x3FA4]  }
0x2a: {  	p0 =	seq.s32 s5, $0x0;
	s5 =	sld [smem:$0x3FA5]  }
0x2b: {  	s6 =	sld [smem:$0x3FA6]  }
0x2c: {  	s7 =	sld [smem:$0x3FA7]  }
0x2d: {  	s3 =	simm.s32 $0x108;
	s8 =	sld [smem:$0x3FA8]  }
0x2e: {  	s3 =	simm.s32 @!p0 $0x1082;
	s9 =	sld [smem:$0x3FA9]  }
0x2f: {  	lr =	sadd.s32 s0, s3;
	s0 =	sld [smem:$0x3FA0]  }
0x30: {  	s3 =	sld [smem:$0x3FA3]  }
0x31: {  	[smem:$0x3FAC] =	sst s10  }
0x32: {  	s10 =	sld [smem:$0x3FAA];
	_ =	sdelay $0x3  }
0x33: {  	p0 =	seq.s32 s10, $0x1;
	s10 =	sld [smem:$0x3FAC];
	_ =	sdelay $0x3  }
0x34: {  	[smem:$0x3FAC] =	sst s10  }
0x35: {  	s10 =	sld [smem:$0x3FAB];
	_ =	sdelay $0x3  }
0x36: {  	p1 =	seq.s32 s10, $0x1;
	s10 =	sld [smem:$0x3FAC];
	_ =	sdelay $0x3  }
0x37: {  	[smem:$0x3FAC] =	sst s10  }
0x38: {  	s10 =	sld [smem:$0x3FAD]  }
0x39: {  	_ = 	snop;
	(pc) =	sbr.ind lr, $3  }
0x3a: {  	_ = 	snop  }
0x3b: {  	_ = 	snop  }
0x3c: {  	p2 =	seq.s32 s10, $0x1;
	s10 =	sld [smem:$0x3FAC]  }
0x3d: {  	_ =	shalt  }
0x3e: {  	_ =	shalt  }
0x3f: {  	_ =	shalt  }
0x40: {  	_ =	shalt  }
0x41: {  	_ =	shalt  }
0x42: {  	_ =	shalt  }
0x43: {  	_ =	shalt  }
0x44: {  	_ =	shalt  }
0x45: {  	_ =	shalt  }
0x46: {  	_ =	shalt  }
0x47: {  	_ =	shalt  }
0x48: {  	_ =	shalt  }
0x49: {  	_ =	shalt  }
0x4a: {  	_ =	shalt  }
0x4b: {  	_ =	shalt  }
0x4c: {  	_ =	shalt  }
0x4d: {  	_ =	shalt  }
0x4e: {  	_ =	shalt  }
0x4f: {  	_ =	shalt  }
0x50: {  	_ =	shalt  }
0x51: {  	_ =	shalt  }
0x52: {  	_ =	shalt  }
0x53: {  	_ =	shalt  }
0x54: {  	_ =	shalt  }
0x55: {  	_ =	shalt  }
0x56: {  	_ =	shalt  }
0x57: {  	_ =	shalt  }
0x58: {  	_ =	shalt  }
0x59: {  	_ =	shalt  }
0x5a: {  	_ =	shalt  }
0x5b: {  	_ =	shalt  }
0x5c: {  	_ =	shalt  }
0x5d: {  	_ =	shalt  }
0x5e: {  	_ =	shalt  }
0x5f: {  	_ =	shalt  }
0x60: {  	_ =	shalt  }
0x61: {  	_ =	shalt  }
0x62: {  	_ =	shalt  }
0x63: {  	_ =	shalt  }
0x64: {  	_ =	shalt  }
0x65: {  	_ =	shalt  }
0x66: {  	_ =	shalt  }
0x67: {  	_ =	shalt  }
0x68: {  	_ =	shalt  }
0x69: {  	_ =	shalt  }
0x6a: {  	_ =	shalt  }
0x6b: {  	_ =	shalt  }
0x6c: {  	_ =	shalt  }
0x6d: {  	_ =	shalt  }
0x6e: {  	_ =	shalt  }
0x6f: {  	_ =	shalt  }
0x70: {  	_ =	shalt  }
0x71: {  	_ =	shalt  }
0x72: {  	_ =	shalt  }
0x73: {  	_ =	shalt  }
0x74: {  	_ =	shalt  }
0x75: {  	_ =	shalt  }
0x76: {  	_ =	shalt  }
0x77: {  	_ =	shalt  }
0x78: {  	_ =	shalt  }
0x79: {  	_ =	shalt  }
0x7a: {  	_ =	shalt  }
0x7b: {  	_ =	shalt  }
0x7c: {  	_ =	shalt  }
0x7d: {  	_ =	shalt  }
0x7e: {  	_ =	shalt  }
0x7f: {  	_ =	shalt  }
0x80: {  	_ =	shalt  }
0x81: {  	_ =	shalt  }
0x82: {  	_ =	shalt  }
0x83: {  	_ =	shalt  }
0x84: {  	_ =	shalt  }
0x85: {  	_ =	shalt  }
0x86: {  	_ =	shalt  }
0x87: {  	_ =	shalt  }
.Lfunc_end0:
.L_simem_size_0:
called_computation_lowered:
.L_overlay_start_0:
0x88: {  	s2 =	sld [smem:$0x3FD9]  }
0x89: {  	s3 =	sld [smem:$0x3FFE];
	_ =	sdelay $0x1  }
0x8a: {  	s1 =	srdreg.scid  }
0x8b: {  	s0 =	sand.u32 $0x1, s1  }
0x8c: {  	s16 =	sshll.u32 s0, $0xA;
	s2 =	sadd.s32 s3, s2  }
0x8d: {  	s2 =	sadd.s32 s2, s16  }
0x8e: {  	[smem:$0x3FB8] =	sst s2  }
0x8f: {  	_ = 	snop  }
0x90: {  	(tm) =	ssettm $0x1  }
0x91: {  	s17 =	sld [smem:$0x3FFB];
	_ =	sdelay $0x3  }
0x92: {  	_ =	strace s17  }
0x93: {  	s2 =	sld [smem:$0x3FFC];
	_ =	sdelay $0x3  }
0x94: {  	_ =	strace s2  }
0x95: {  	s2 =	sld [smem:$0x3FFD];
	_ =	sdelay $0x3  }
0x96: {  	_ =	strace s2  }
0x97: {  	_ =	strace $0x8FFFFFFF  }
0x98: {  	s18 =	sld [smem:$0x3FDB];
	_ =	sdelay $0x1  }
0x99: {  	s19 =	simm.s32 $_scs_section_size  }
0x9a: {  	s4 =	simm.s32 $_size__tile_overlayer_lowered;
	s5 =	simm.s32 $_tile_overlayer_lowered  }
0x9b: {  	s22 =	simm.s32 $0x1BFF;
	s21 =	sshll.u32 s5, $0x1;
	s2 =	sadd.s32 s19, s18  }
0x9c: {  	s6 =	simm.s32 $0x0;
	s20 =	sshll.u32 s4, $0x1;
	s4 =	sadd.s32 s21, s2  }
0x9d: {  	[timem:s6], [sflag:s22] =	dma.local [hbm:s4], s20  }
0x9e: {  	_ =	swait.ge [sflag:s22], s20  }
0x9f: {  	s3 =	ssub.s32 $0x0, s20;
	[sflag:s22] =	ssyncset.done $0x0  }
0xa0: {  	[sflag:s22] =	ssyncadd.s32 s3;
	_ =	sdelay $0x1  }
0xa1: {  	s23 =	simm.s32 $0x1B8B  }
0xa2: {  	_ =	swait.ge [sflag:s23], $0x1  }
0xa3: {  	[sflag:s23] =	ssyncset.done $0x0  }
0xa4: {  	s25 =	simm.s32 $0x1B8E;
	s24 =	sld [smem:$0x3FFE];
	[sflag:s23] =	ssyncadd.s32 $0xFFFFFFFF  }
0xa5: {  	s26 =	simm.s32 $execute0_lowered;
	[smem:$0x3FD2] =	sst s25  }
0xa6: {  	s4 =	sshll.u32 s26, $0x1;
	_ =	strace $0x80000046;
	[dreg:$0x1] =	wrdreg $0xFFFFFFFF  }
0xa7: {  	s28 =	simm.s32 $_size_execute0_lowered;
	s2 =	sadd.s32 s2, s4;
	[dreg:$0x0] =	wrdreg $0x0  }
0xa8: {  	s4 =	sshll.u32 s28, $0x1;
	[dreg:$0x2] =	wrdreg s2  }
0xa9: {  	[dreg:$0x3] =	wrdreg s4  }
0xaa: {  	[dreg:$0x4] =	wrdreg $0xC0  }
0xab: {  	_ =	task [dreg:s6], $0x5FFFF  }
0xac: {  	[dreg:$0x1] =	wrdreg $0xFFFFFFFF  }
0xad: {  	[dreg:$0x0] =	wrdreg $0x60  }
0xae: {  	[dreg:$0x2] =	wrdreg s24  }
0xaf: {  	[dreg:$0x3] =	wrdreg $0x40800  }
0xb0: {  	[dreg:$0x4] =	wrdreg $0x9  }
0xb1: {  	_ =	task.clear_ibuf [dreg:s6], $0x5FFFF;
	_ =	strace $0x90000046  }
0xb2: {  	s29 =	simm.s32 $0x9;
	_ =	strace $0x80000048  }
0xb3: {  	_ =	swait.ge [sflag:s29], $0x1  }
0xb4: {  	[sflag:s29] =	ssyncadd.s32 $0xFFFFFFFF  }
0xb5: {  	_ =	strace $0x90000048  }
0xb6: {  	_ =	sfence  }
0xb7: {  	s30 =	sld [smem:$0x0];
	_ =	sdelay $0x2  }
0xb8: {  	s31 =	sshll.u32 s1, $0xD;
	s1 =	sshrl.u32 s1, $0x2  }
0xb9: {  	s3 =	sand.u32 $0x4000, s31;
	s1 =	sadd.s32 s1, s30  }
0xba: {  	s0 =	sor.u32 s3, s0;
	s1 =	sshll.u32 s1, $0x11  }
0xbb: {  	s0 =	sor.u32 s1, s0  }
0xbc: {  	s0 =	sadd.s32 $0x8F2B, s0  }
0xbd: {  	[sflag:s0] =	ssyncadd.remote.s32 $0x1  }
0xbe: {  	_ =	sfence.sel $0xFFFF  }
0xbf: {  	[dreg:$0x0] =	wrdreg $0xFFFFFFFF;
	(pc) =	sbr.abs _section_cstart, $3  }
0xc0: {  	[dreg:$0x1] =	wrdreg $0xFFFFFFFF  }
0xc1: {  	_ =	task.clear_ibuf [dreg:s6], $0x2FFFF;
	_ =	strace $0x9FFFFFFF  }
0xc2: {  	(tm) =	ssettm $0x7FFFFFFF  }
0xc3: {  	_ =	shalt  }
tec
execute0_lowered:
.L_overlay_start_1:
0x0: {  	(tag) =	ssettag $0x1  }
0x1: {  	s4 =	rddreg [dreg:$0x0];
	s0 =	srdreg.scid  }
0x2: {  	s2 =	rddreg [dreg:$0x1];
	s1 =	stileid.u32;
	s3 =	simm.s32 $0x0  }
0x3: {  	s12 =	simm.s32 $0x1;
	s13 =	simm.s32 $0x4000;
	s7 =	smul.u32 $0x14000, s1  }
0x4: {  	s14 =	simm.s32 $0x80;
	s17 =	simm.s32 $0x0;
	s8 =	smul.u32 $0x9E0, s1  }
0x5: {  	s5 =	sand.u32 $0x1, s0;
	s0 =	rddreg [dreg:$0x2];
	s29 =	smul.u32 $0x50000, s1  }
0x6: {  	[smem:$0x7FF] =	sst s3;
	s15 =	sshll.u32 s1, $0x6;
	s6 =	smul.u32 $0x140000, s5  }
0x7: {  	_ =	strace $0x80000047;
	s30 =	ssub.s32 $0x2, s5;
	s11 =	smul.u32 $0x4F0, s5  }
0x8: {  	s15 =	sor.u32 $0x1C01, s15;
	s10 =	sadd.s32 s8, s4;
	s6 =	sadd.s32 s7, s6  }
0x9: {  	s31 =	sshrl.u32 s30, $0x1;
	s7 =	sshrl.u32 s29, $0x2;
	s6 =	sshrl.u32 s6, $0x3  }
0xa: {  	s8 =	ssub.s32 s30, s31;
	s11 =	sadd.s32 s11, s10;
	s6 =	sadd.s32 s6, s4  }
0xb: {  	s11 =	sadd.s32 $0x3400, s11;
	s4 =	sadd.s32 s7, s2;
	s5 =	sadd.s32 $0xD200, s6  }
0xc: {  	s6 =	smax.u32 s8, $0x1;
	s7 =	sadd.s32 $0x4000, s4;
	s8 =	sadd.s32 $0x8000, s4  }
0xd: {  	v0 =	vimm.f32 $0.0e+00;
	v1 =	vimm.f32 $1.000000000e+00;
	s9 =	sadd.s32 $0xC000, s4;
	s10 =	sadd.s32 $0x10000, s4;
	s16 =	sshrl.u32 s4, $0x3  }
.LBB2_1:
0xe: {  	s18 =	simm.s32 $0x200;
	s19 =	simm.s32 $0x0  }
.LBB2_2:
0xf: {  	p0 =	sne.s32 s18, $0xFE00;
	[tilespmem:s19+$0x0] =	vst v0;
	s19 =	smov.u32 s18;
	s18 =	sadd.s32 $0x200, s18  }
.Ltmp0:
0x10: {  	(pc) =	sbr.rel @p0 .LBB2_2-.Ltmp0, $2  }
0x11: {  	_ =	sdelay $0x2  }
0x12: {  	s19 =	sshra.s32 s19, $0x2  }
0x13: {  	[tilespmem:s19+$0x0] =	vst v0;
	s18 =	simm.s32 $0x0  }
0x14: {  	[spmem:s4] =	stream.linear.scatter [tilespmem:s18], [sflag:$0x1], $0x4000, $0x38;
	[tilespmem:$0x6880] =	vst v63  }
0x15: {  	_ =	swait.ge [sflag:s12], $0x4000  }
0x16: {  	[sflag:s12] =	ssyncset.done $0x0  }
0x17: {  	[sflag:s12] =	ssyncadd.s32 $0xFFFFC000  }
0x18: {  	[spmem:s7] =	stream.linear.scatter [tilespmem:s18], [sflag:$0x1], $0x4000, $0x38;
	[tilespmem:$0x6880] =	vst v63  }
0x19: {  	_ =	swait.ge [sflag:s12], $0x4000  }
0x1a: {  	[sflag:s12] =	ssyncset.done $0x0  }
0x1b: {  	[sflag:s12] =	ssyncadd.s32 $0xFFFFC000  }
0x1c: {  	[spmem:s8] =	stream.linear.scatter [tilespmem:s18], [sflag:$0x1], $0x4000, $0x38;
	[tilespmem:$0x6880] =	vst v63  }
0x1d: {  	_ =	swait.ge [sflag:s12], $0x4000  }
0x1e: {  	[sflag:s12] =	ssyncset.done $0x0  }
0x1f: {  	[sflag:s12] =	ssyncadd.s32 $0xFFFFC000  }
0x20: {  	[spmem:s9] =	stream.linear.scatter [tilespmem:s18], [sflag:$0x1], $0x4000, $0x38;
	[tilespmem:$0x6880] =	vst v63  }
0x21: {  	_ =	swait.ge [sflag:s12], $0x4000  }
0x22: {  	[sflag:s12] =	ssyncset.done $0x0  }
0x23: {  	[sflag:s12] =	ssyncadd.s32 $0xFFFFC000  }
0x24: {  	[spmem:s10] =	stream.linear.scatter [tilespmem:s18], [sflag:$0x1], $0x4000, $0x38;
	[tilespmem:$0x6880] =	vst v63  }
0x25: {  	_ =	swait.ge [sflag:s12], $0x4000  }
0x26: {  	[sflag:s12] =	ssyncset.done $0x0  }
0x27: {  	s19 =	simm.s32 $0x0;
	s18 =	simm.s32 $0x200;
	[sflag:s12] =	ssyncadd.s32 $0xFFFFC000  }
.LBB2_4:
0x28: {  	p0 =	sne.s32 s18, $0xFE00;
	[tilespmem:s19+$0x0] =	vst v1;
	s19 =	smov.u32 s18;
	s18 =	sadd.s32 $0x200, s18  }
.Ltmp1:
0x29: {  	(pc) =	sbr.rel @p0 .LBB2_4-.Ltmp1, $2  }
0x2a: {  	_ =	sdelay $0x2  }
0x2b: {  	s19 =	sshra.s32 s19, $0x2  }
0x2c: {  	[tilespmem:s19+$0x0] =	vst v1  }
0x2d: {  	s18 =	sadd.s32 $0x0, s11;
	[bflag:$0x0] =	sbarrier.arrive $0xFFFF  }
0x2e: {  	[tilespmem:s13], [sflag:$0x1] =	stream.linear.gather [hbm4b:s18+s3], $0x80, $0x38;
	[tilespmem:$0x6880] =	vst v63  }
0x2f: {  	_ =	swait.ge [sflag:s12], $0x80  }
0x30: {  	[sflag:s12] =	ssyncset.done $0x0  }
0x31: {  	[sflag:s12] =	ssyncadd.s32 $0xFFFFFF80  }
0x32: {  	[spmem:s2] =	stream.indirect.scatter.add.f32 [tilespmem:s3], [sflag:$0x1], $0x10, s13, s14, $0xb8;
	[tilespmem:$0x6880] =	vst v63  }
0x33: {  	_ =	swait.ge [sflag:s12], $0x800  }
0x34: {  	s19 =	simm.s32 $0x20;
	s18 =	simm.s32 $0x10;
	[sflag:s12] =	ssyncset.done $0x0  }
.LBB2_6:
0x35: {  	s20 =	sadd.s32 s18, s11  }
0x36: {  	[sflag:s12] =	ssyncadd.s32 $0xFFFFF800;
	s18 =	smov.u32 s19;
	s21 =	sadd.s32 $0x10, s19  }
0x37: {  	[tilespmem:s13], [sflag:$0x1] =	stream.linear.gather [hbm4b:s20+s3], $0x80, $0x38;
	[tilespmem:$0x6880] =	vst v63  }
0x38: {  	p0 =	sne.s32 s19, $0x4E0;
	_ =	swait.ge [sflag:s12], $0x80  }
.Ltmp2:
0x39: {  	[sflag:s12] =	ssyncset.done $0x0;
	(pc) =	sbr.rel @p0 .LBB2_6-.Ltmp2, $4  }
0x3a: {  	[sflag:s12] =	ssyncadd.s32 $0xFFFFFF80  }
0x3b: {  	[spmem:s2] =	stream.indirect.scatter.add.f32 [tilespmem:s3], [sflag:$0x1], $0x10, s13, s14, $0xb8;
	[tilespmem:$0x6880] =	vst v63  }
0x3c: {  	_ =	swait.ge [sflag:s12], $0x800  }
0x3d: {  	s19 =	smov.u32 s21;
	[sflag:s12] =	ssyncset.done $0x0  }
0x3e: {  	s18 =	sadd.s32 s18, s11;
	[sflag:s12] =	ssyncadd.s32 $0xFFFFF800  }
0x3f: {  	[tilespmem:s13], [sflag:$0x1] =	stream.linear.gather [hbm4b:s18+s3], $0x80, $0x38;
	[tilespmem:$0x6880] =	vst v63  }
0x40: {  	_ =	swait.ge [sflag:s12], $0x80  }
0x41: {  	[sflag:s12] =	ssyncset.done $0x0  }
0x42: {  	[sflag:s12] =	ssyncadd.s32 $0xFFFFFF80  }
0x43: {  	[spmem:s2] =	stream.indirect.scatter.add.f32 [tilespmem:s3], [sflag:$0x1], $0x10, s13, s14, $0xb8;
	[tilespmem:$0x6880] =	vst v63  }
0x44: {  	_ =	swait.ge [sflag:s12], $0x800  }
0x45: {  	s17 =	sadd.s32 $0x1, s17;
	[sflag:s12] =	ssyncset.done $0x0  }
0x46: {  	p0 =	sne.s32 s17, s6;
	[sflag:s12] =	ssyncadd.s32 $0xFFFFF800  }
.Ltmp3:
0x47: {  	[bflag:$0x0] =	sbarrier.arrive $0xFFFF;
	(pc) =	sbr.rel @p0 .LBB2_1-.Ltmp3, $4  }
0x48: {  	[hbm:s5], [sflag:s15] =	dma.local [spmem:s16], $0x2800  }
0x49: {  	_ =	swait.ge [sflag:s12], $0x2800  }
0x4a: {  	[sflag:s12] =	ssyncset.done $0x0  }
0x4b: {  	[sflag:s12] =	ssyncadd.s32 $0xFFFFD800  }
0x4c: {  	_ =	sfence.sel $0x180000  }
0x4d: {  	[bflag:$0x0] =	sbarrier.arrive $0xFFFF  }
0x4e: {  	p0 =	sne.s32 s1, $0x0;
	_ =	strace $0x90000047  }
0x4f: {  	s0 =	sadd.s32 @!p0 $0x100000, s0;
	[bflag:$0x2] =	sbarrier.arrive $0xFFFF  }
0x50: {  	[sflag:s0] =	ssyncadd.tile.s32 @!p0 $0x1;
	_ =	shalt  }
.Lfunc_end2:
_tile_overlayer_lowered:
.L_overlay_start_2:
0x51: {  	(tag) =	ssettag $0x2  }
0x52: {  	s0 =	rddreg [dreg:$0x0];
	s2 =	stileid.u32  }
0x53: {  	s1 =	rddreg [dreg:$0x1];
	p0 =	sne.s32 s2, $0x0  }
0x54: {  	s3 =	rddreg [dreg:$0x2];
	[bflag:$0x3] =	sbarrier.arrive $0xFFFF;
	s2 =	simm.s32 @!p0 $0x1C01  }
0x55: {  	[timem:s3], [sflag:s2] =	dma.local @!p0 [hbm:s0], s1  }
0x56: {  	s0 =	simm.s32 @!p0 $0x1  }
0x57: {  	_ =	swait.ge @!p0 [sflag:s0], s1  }
0x58: {  	s1 =	ssub.s32 @!p0 $0x0, s1;
	[sflag:s0] =	ssyncset.done @!p0 $0x0  }
0x59: {  	[sflag:s0] =	ssyncadd.s32 @!p0 s1  }
0x5a: {  	[bflag:$0x3] =	sbarrier.arrive $0xFFFF  }
0x5b: {  	_ =	shalt  }

// kernel: kernel.13.cloned.1.call-start
scs
__scs_entry_jumppad:
0x0: {  	(pc) =	sbr.rel $0x88, $3  }
0x1: {  	(tag) =	ssettag $0x0;
	lr =	simm.s32 $0x1  }
0x2: {  	[smem:$0x3F91] =	sst lr;
	_ =	strace $0xD0000000  }
0x3: {  	_ = 	snop  }
0x4: {  	_ = 	snop  }
0x5: {  	_ = 	snop  }
0x6: {  	_ = 	snop  }
0x7: {  	_ = 	snop  }
__scs_overlays_trampoline_lowered:
0x8: {  	[smem:$0x3FA0] =	sst s0  }
0x9: {  	[smem:$0x3FA1] =	sst s1  }
0xa: {  	[smem:$0x3FA2] =	sst s2  }
0xb: {  	[smem:$0x3FA3] =	sst s3  }
0xc: {  	[smem:$0x3FA4] =	sst s4  }
0xd: {  	[smem:$0x3FA5] =	sst s5  }
0xe: {  	[smem:$0x3FA6] =	sst s6  }
0xf: {  	[smem:$0x3FA7] =	sst s7  }
0x10: {  	[smem:$0x3FA8] =	sst s8  }
0x11: {  	[smem:$0x3FA9] =	sst s9;
	s0 =	simm.s32 @!p0 $0x0  }
0x12: {  	s1 =	sld [smem:$0x3F8F];
	s0 =	simm.s32 @p0 $0x1  }
0x13: {  	[smem:$0x3FAA] =	sst s0;
	s0 =	simm.s32 @!p1 $0x0  }
0x14: {  	s2 =	sld [smem:$0x3F8E];
	s0 =	simm.s32 @p1 $0x1  }
0x15: {  	[smem:$0x3FAB] =	sst s0;
	s0 =	simm.s32 @!p2 $0x0  }
0x16: {  	s3 =	sld [smem:$0x3FDB];
	s0 =	simm.s32 @p2 $0x1  }
0x17: {  	s4 =	simm.s32 $0x1BF5;
	[smem:$0x3FAD] =	sst s0  }
0x18: {  	s0 =	sld [smem:$0x3F90];
	_ =	swait.ge [sflag:s4], $0x0  }
0x19: {  	s7 =	sld [smem:$0x3F91]  }
0x1a: {  	s8 =	sadd.s32 $0xFFFFE003, lr  }
0x1b: {  	s9 =	sadd.s32 $0xFFFFFEF7, lr;
	s5 =	simm.s32 $0xFFFFFFFF;
	p2 =	slt.u32 s8, $0xFFFFF086  }
0x1c: {  	p1 =	slt.u32 s9, $0xF7A;
	s5 =	simm.s32 @!p2 $0x0  }
0x1d: {  	s5 =	simm.s32 @p1 $0x1;
	p0 =	seq.s32 s7, s2  }
0x1e: {  	s7 =	smul.u32 @!p0 $0xF7A, s2;
	p2 =	seq.s32 @!p0 s5, $0x0  }
0x1f: {  	s9 =	smul.u32 $0xF7A, s1;
	s8 =	simm.s32 @!p0 $0x1BF5;
	p2 =	por !p2, p0  }
0x20: {  	[sflag:s8] =	ssyncset.s32 @!p0 $0xFFFFF086;
	s6 =	sadd.s32 @!p0 s3, s7;
	s7 =	simm.s32 @!p0 $0x108  }
0x21: {  	s3 =	sadd.s32 s3, s9;
	s6 =	sadd.s32 @!p0 $0x88, s6;
	s7 =	simm.s32 @p2 $0x1082  }
0x22: {  	[simem:s7], [sflag:s8] =	dma.local @!p0 [hbm:s6], $0xF7A  }
0x23: {  	s9 =	sor.u32 $0xD0000000, s2;
	s6 =	simm.s32 $0x108;
	_ =	swait.ge @!p0 [sflag:s8], $0x0  }
0x24: {  	s3 =	sadd.s32 $0x88, s3;
	s6 =	simm.s32 @!p1 $0x1082;
	[sflag:s4] =	ssyncset.s32 $0xFFFFF086  }
0x25: {  	[simem:s6], [sflag:s4] =	dma.local [hbm:s3], $0xF7A  }
0x26: {  	[smem:$0x3F91] =	sst s1;
	(tag) =	ssettag s2;
	_ =	strace s9  }
0x27: {  	s1 =	sld [smem:$0x3FA1]  }
0x28: {  	s2 =	sld [smem:$0x3FA2]  }
0x29: {  	s4 =	sld [smem:$0x3FA4]  }
0x2a: {  	p0 =	seq.s32 s5, $0x0;
	s5 =	sld [smem:$0x3FA5]  }
0x2b: {  	s6 =	sld [smem:$0x3FA6]  }
0x2c: {  	s7 =	sld [smem:$0x3FA7]  }
0x2d: {  	s3 =	simm.s32 $0x108;
	s8 =	sld [smem:$0x3FA8]  }
0x2e: {  	s3 =	simm.s32 @!p0 $0x1082;
	s9 =	sld [smem:$0x3FA9]  }
0x2f: {  	lr =	sadd.s32 s0, s3;
	s0 =	sld [smem:$0x3FA0]  }
0x30: {  	s3 =	sld [smem:$0x3FA3]  }
0x31: {  	[smem:$0x3FAC] =	sst s10  }
0x32: {  	s10 =	sld [smem:$0x3FAA];
	_ =	sdelay $0x3  }
0x33: {  	p0 =	seq.s32 s10, $0x1;
	s10 =	sld [smem:$0x3FAC];
	_ =	sdelay $0x3  }
0x34: {  	[smem:$0x3FAC] =	sst s10  }
0x35: {  	s10 =	sld [smem:$0x3FAB];
	_ =	sdelay $0x3  }
0x36: {  	p1 =	seq.s32 s10, $0x1;
	s10 =	sld [smem:$0x3FAC];
	_ =	sdelay $0x3  }
0x37: {  	[smem:$0x3FAC] =	sst s10  }
0x38: {  	s10 =	sld [smem:$0x3FAD]  }
0x39: {  	_ = 	snop;
	(pc) =	sbr.ind lr, $3  }
0x3a: {  	_ = 	snop  }
0x3b: {  	_ = 	snop  }
0x3c: {  	p2 =	seq.s32 s10, $0x1;
	s10 =	sld [smem:$0x3FAC]  }
0x3d: {  	_ =	shalt  }
0x3e: {  	_ =	shalt  }
0x3f: {  	_ =	shalt  }
0x40: {  	_ =	shalt  }
0x41: {  	_ =	shalt  }
0x42: {  	_ =	shalt  }
0x43: {  	_ =	shalt  }
0x44: {  	_ =	shalt  }
0x45: {  	_ =	shalt  }
0x46: {  	_ =	shalt  }
0x47: {  	_ =	shalt  }
0x48: {  	_ =	shalt  }
0x49: {  	_ =	shalt  }
0x4a: {  	_ =	shalt  }
0x4b: {  	_ =	shalt  }
0x4c: {  	_ =	shalt  }
0x4d: {  	_ =	shalt  }
0x4e: {  	_ =	shalt  }
0x4f: {  	_ =	shalt  }
0x50: {  	_ =	shalt  }
0x51: {  	_ =	shalt  }
0x52: {  	_ =	shalt  }
0x53: {  	_ =	shalt  }
0x54: {  	_ =	shalt  }
0x55: {  	_ =	shalt  }
0x56: {  	_ =	shalt  }
0x57: {  	_ =	shalt  }
0x58: {  	_ =	shalt  }
0x59: {  	_ =	shalt  }
0x5a: {  	_ =	shalt  }
0x5b: {  	_ =	shalt  }
0x5c: {  	_ =	shalt  }
0x5d: {  	_ =	shalt  }
0x5e: {  	_ =	shalt  }
0x5f: {  	_ =	shalt  }
0x60: {  	_ =	shalt  }
0x61: {  	_ =	shalt  }
0x62: {  	_ =	shalt  }
0x63: {  	_ =	shalt  }
0x64: {  	_ =	shalt  }
0x65: {  	_ =	shalt  }
0x66: {  	_ =	shalt  }
0x67: {  	_ =	shalt  }
0x68: {  	_ =	shalt  }
0x69: {  	_ =	shalt  }
0x6a: {  	_ =	shalt  }
0x6b: {  	_ =	shalt  }
0x6c: {  	_ =	shalt  }
0x6d: {  	_ =	shalt  }
0x6e: {  	_ =	shalt  }
0x6f: {  	_ =	shalt  }
0x70: {  	_ =	shalt  }
0x71: {  	_ =	shalt  }
0x72: {  	_ =	shalt  }
0x73: {  	_ =	shalt  }
0x74: {  	_ =	shalt  }
0x75: {  	_ =	shalt  }
0x76: {  	_ =	shalt  }
0x77: {  	_ =	shalt  }
0x78: {  	_ =	shalt  }
0x79: {  	_ =	shalt  }
0x7a: {  	_ =	shalt  }
0x7b: {  	_ =	shalt  }
0x7c: {  	_ =	shalt  }
0x7d: {  	_ =	shalt  }
0x7e: {  	_ =	shalt  }
0x7f: {  	_ =	shalt  }
0x80: {  	_ =	shalt  }
0x81: {  	_ =	shalt  }
0x82: {  	_ =	shalt  }
0x83: {  	_ =	shalt  }
0x84: {  	_ =	shalt  }
0x85: {  	_ =	shalt  }
0x86: {  	_ =	shalt  }
0x87: {  	_ =	shalt  }
.Lfunc_end0:
.L_simem_size_0:
called_computation.1_lowered:
.L_overlay_start_0:
0x88: {  	s2 =	sld [smem:$0x3FD9]  }
0x89: {  	s3 =	sld [smem:$0x3FFE];
	_ =	sdelay $0x1  }
0x8a: {  	s1 =	srdreg.scid  }
0x8b: {  	s0 =	sand.u32 $0x1, s1  }
0x8c: {  	s16 =	sshll.u32 s0, $0xA;
	s2 =	sadd.s32 s3, s2  }
0x8d: {  	s2 =	sadd.s32 s2, s16  }
0x8e: {  	[smem:$0x3FB8] =	sst s2  }
0x8f: {  	_ = 	snop  }
0x90: {  	(tm) =	ssettm $0x1  }
0x91: {  	s17 =	sld [smem:$0x3FFB];
	_ =	sdelay $0x3  }
0x92: {  	_ =	strace s17  }
0x93: {  	s2 =	sld [smem:$0x3FFC];
	_ =	sdelay $0x3  }
0x94: {  	_ =	strace s2  }
0x95: {  	s2 =	sld [smem:$0x3FFD];
	_ =	sdelay $0x3  }
0x96: {  	_ =	strace s2  }
0x97: {  	_ =	strace $0x8FFFFFFF  }
0x98: {  	s18 =	sld [smem:$0x3FDB];
	_ =	sdelay $0x1  }
0x99: {  	s19 =	simm.s32 $_scs_section_size  }
0x9a: {  	s4 =	simm.s32 $_size__tile_overlayer_lowered;
	s5 =	simm.s32 $_tile_overlayer_lowered  }
0x9b: {  	s22 =	simm.s32 $0x1BFF;
	s21 =	sshll.u32 s5, $0x1;
	s2 =	sadd.s32 s19, s18  }
0x9c: {  	s6 =	simm.s32 $0x0;
	s20 =	sshll.u32 s4, $0x1;
	s4 =	sadd.s32 s21, s2  }
0x9d: {  	[timem:s6], [sflag:s22] =	dma.local [hbm:s4], s20  }
0x9e: {  	_ =	swait.ge [sflag:s22], s20  }
0x9f: {  	s3 =	ssub.s32 $0x0, s20;
	[sflag:s22] =	ssyncset.done $0x0  }
0xa0: {  	[sflag:s22] =	ssyncadd.s32 s3;
	_ =	sdelay $0x1  }
0xa1: {  	s23 =	simm.s32 $0x1B8B  }
0xa2: {  	_ =	swait.ge [sflag:s23], $0x1  }
0xa3: {  	[sflag:s23] =	ssyncset.done $0x0  }
0xa4: {  	s25 =	simm.s32 $0x1B8E;
	s24 =	sld [smem:$0x3FFE];
	[sflag:s23] =	ssyncadd.s32 $0xFFFFFFFF  }
0xa5: {  	s26 =	simm.s32 $execute0_lowered;
	[smem:$0x3FD2] =	sst s25  }
0xa6: {  	s4 =	sshll.u32 s26, $0x1;
	_ =	strace $0x80000049;
	[dreg:$0x1] =	wrdreg $0xFFFFFFFF  }
0xa7: {  	s28 =	simm.s32 $_size_execute0_lowered;
	s2 =	sadd.s32 s2, s4;
	[dreg:$0x0] =	wrdreg $0x0  }
0xa8: {  	s4 =	sshll.u32 s28, $0x1;
	[dreg:$0x2] =	wrdreg s2  }
0xa9: {  	[dreg:$0x3] =	wrdreg s4  }
0xaa: {  	[dreg:$0x4] =	wrdreg $0xC0  }
0xab: {  	_ =	task [dreg:s6], $0x5FFFF  }
0xac: {  	[dreg:$0x1] =	wrdreg $0xFFFFFFFF  }
0xad: {  	[dreg:$0x0] =	wrdreg $0x60  }
0xae: {  	[dreg:$0x2] =	wrdreg s24  }
0xaf: {  	[dreg:$0x3] =	wrdreg $0x41000  }
0xb0: {  	[dreg:$0x4] =	wrdreg $0x9  }
0xb1: {  	_ =	task.clear_ibuf [dreg:s6], $0x5FFFF;
	_ =	strace $0x90000049  }
0xb2: {  	s29 =	simm.s32 $0x9;
	_ =	strace $0x8000004B  }
0xb3: {  	_ =	swait.ge [sflag:s29], $0x1  }
0xb4: {  	[sflag:s29] =	ssyncadd.s32 $0xFFFFFFFF  }
0xb5: {  	_ =	strace $0x9000004B  }
0xb6: {  	_ =	sfence  }
0xb7: {  	s30 =	sld [smem:$0x0];
	_ =	sdelay $0x2  }
0xb8: {  	s31 =	sshll.u32 s1, $0xD;
	s1 =	sshrl.u32 s1, $0x2  }
0xb9: {  	s3 =	sand.u32 $0x4000, s31;
	s1 =	sadd.s32 s1, s30  }
0xba: {  	s0 =	sor.u32 s3, s0;
	s1 =	sshll.u32 s1, $0x11  }
0xbb: {  	s0 =	sor.u32 s1, s0  }
0xbc: {  	s0 =	sadd.s32 $0x8F2B, s0  }
0xbd: {  	[sflag:s0] =	ssyncadd.remote.s32 $0x1  }
0xbe: {  	_ =	sfence.sel $0xFFFF  }
0xbf: {  	[dreg:$0x0] =	wrdreg $0xFFFFFFFF;
	(pc) =	sbr.abs _section_cstart, $3  }
0xc0: {  	[dreg:$0x1] =	wrdreg $0xFFFFFFFF  }
0xc1: {  	_ =	task.clear_ibuf [dreg:s6], $0x2FFFF;
	_ =	strace $0x9FFFFFFF  }
0xc2: {  	(tm) =	ssettm $0x7FFFFFFF  }
0xc3: {  	_ =	shalt  }
tec
execute0_lowered:
.L_overlay_start_1:
0x0: {  	(tag) =	ssettag $0x1  }
0x1: {  	s5 =	rddreg [dreg:$0x0]  }
0x2: {  	s1 =	rddreg [dreg:$0x1];
	s2 =	srdreg.scid  }
0x3: {  	s0 =	rddreg [dreg:$0x2];
	s3 =	simm.s32 $0x0;
	s14 =	simm.s32 $0x2  }
0x4: {  	s15 =	simm.s32 $0x4000;
	s16 =	simm.s32 $0x4080;
	s6 =	sand.u32 $0x1, s2  }
0x5: {  	s17 =	simm.s32 $0x80;
	s2 =	stileid.u32;
	s7 =	smul.u32 $0x140000, s6  }
0x6: {  	s18 =	simm.s32 $0x1;
	s21 =	simm.s32 $0x0;
	s8 =	smul.u32 $0x14000, s2  }
0x7: {  	[smem:$0x7FF] =	sst s3;
	s4 =	sadd.s32 $0xD200, s5;
	s9 =	smul.u32 $0x9E0, s2  }
0x8: {  	_ =	strace $0x8000004A;
	s29 =	smul.u32 $0x50000, s2;
	s30 =	ssub.s32 $0x2, s6  }
0x9: {  	s12 =	smul.u32 $0x4F0, s6;
	s19 =	sshll.u32 s2, $0x6;
	s31 =	sshrl.u32 s30, $0x1  }
0xa: {  	s19 =	sor.u32 $0x1C02, s19;
	s7 =	sadd.s32 s8, s7;
	s11 =	sadd.s32 s9, s5  }
0xb: {  	s8 =	sshrl.u32 s29, $0x2;
	s9 =	ssub.s32 s30, s31;
	s7 =	sshrl.u32 s7, $0x3  }
0xc: {  	s13 =	sadd.s32 s12, s11;
	s7 =	sadd.s32 s7, s5;
	s5 =	sadd.s32 s8, s1  }
0xd: {  	s12 =	sadd.s32 $0x3400, s13;
	s13 =	sadd.s32 $0x5D200, s13;
	s6 =	sadd.s32 $0x67000, s7  }
0xe: {  	s7 =	smax.u32 s9, $0x1;
	s8 =	sadd.s32 $0x4000, s5;
	s9 =	sadd.s32 $0x8000, s5  }
0xf: {  	v0 =	vimm.f32 $0.0e+00;
	s10 =	sadd.s32 $0xC000, s5;
	s11 =	sadd.s32 $0x10000, s5;
	s20 =	sshrl.u32 s5, $0x3  }
.LBB2_1:
0x10: {  	s22 =	sand.u32 $0xFE00, s3  }
0x11: {  	s23 =	sand.u32 $0x70, s3;
	s24 =	sshrl.u32 s22, $0x2  }
0x12: {  	s22 =	simm.s32 $0x40;
	s24 =	sor.u32 s23, s24;
	s23 =	simm.s32 $0x0  }
.LBB2_2:
0x13: {  	p0 =	sne.s32 s22, $0xFFC0  }
0x14: {  	[tilespmem:s24+$0x0] =	vst v0;
	s23 =	sadd.s32 $0x10, s23;
	s24 =	smov.u32 s22;
	s22 =	sadd.s32 $0x40, s22  }
.Ltmp0:
0x15: {  	(pc) =	sbr.rel @p0 .LBB2_2-.Ltmp0, $4  }
0x16: {  	_ = 	snop  }
0x17: {  	s24 =	sand.u32 $0xFE00, s24  }
0x18: {  	s25 =	sand.u32 $0x70, s23;
	s24 =	sshrl.u32 s24, $0x2  }
0x19: {  	s24 =	sor.u32 s25, s24  }
0x1a: {  	[tilespmem:s24+$0x0] =	vst v0;
	s22 =	simm.s32 $0x0  }
0x1b: {  	[spmem:s5] =	stream.linear.scatter [tilespmem:s22], [sflag:$0x2], $0x4000, $0x38;
	[tilespmem:$0x18100] =	vst v63  }
0x1c: {  	_ =	swait.ge [sflag:s14], $0x4000  }
0x1d: {  	[sflag:s14] =	ssyncset.done $0x0  }
0x1e: {  	[sflag:s14] =	ssyncadd.s32 $0xFFFFC000  }
0x1f: {  	[spmem:s8] =	stream.linear.scatter [tilespmem:s22], [sflag:$0x2], $0x4000, $0x38;
	[tilespmem:$0x18100] =	vst v63  }
0x20: {  	_ =	swait.ge [sflag:s14], $0x4000  }
0x21: {  	[sflag:s14] =	ssyncset.done $0x0  }
0x22: {  	[sflag:s14] =	ssyncadd.s32 $0xFFFFC000  }
0x23: {  	[spmem:s9] =	stream.linear.scatter [tilespmem:s22], [sflag:$0x2], $0x4000, $0x38;
	[tilespmem:$0x18100] =	vst v63  }
0x24: {  	_ =	swait.ge [sflag:s14], $0x4000  }
0x25: {  	[sflag:s14] =	ssyncset.done $0x0  }
0x26: {  	[sflag:s14] =	ssyncadd.s32 $0xFFFFC000  }
0x27: {  	[spmem:s10] =	stream.linear.scatter [tilespmem:s22], [sflag:$0x2], $0x4000, $0x38;
	[tilespmem:$0x18100] =	vst v63  }
0x28: {  	_ =	swait.ge [sflag:s14], $0x4000  }
0x29: {  	[sflag:s14] =	ssyncset.done $0x0  }
0x2a: {  	[sflag:s14] =	ssyncadd.s32 $0xFFFFC000  }
0x2b: {  	[spmem:s11] =	stream.linear.scatter [tilespmem:s22], [sflag:$0x2], $0x4000, $0x38;
	[tilespmem:$0x18100] =	vst v63  }
0x2c: {  	_ =	swait.ge [sflag:s14], $0x4000  }
0x2d: {  	[sflag:s14] =	ssyncset.done $0x0  }
0x2e: {  	[sflag:s14] =	ssyncadd.s32 $0xFFFFC000  }
0x2f: {  	s30 =	sadd.s32 $0x0, s13;
	[bflag:$0x0] =	sbarrier.arrive $0xFFFF  }
0x30: {  	[tilespmem:s15], [sflag:$0x2] =	stream.linear.gather [hbm4b:s30+s3], $0x80, $0x38;
	[tilespmem:$0x18100] =	vst v63  }
0x31: {  	_ =	swait.ge [sflag:s14], $0x80  }
0x32: {  	[sflag:s14] =	ssyncset.done $0x0  }
0x33: {  	s31 =	sadd.s32 $0x0, s12;
	[sflag:s14] =	ssyncadd.s32 $0xFFFFFF80  }
0x34: {  	[tilespmem:s16], [sflag:$0x2] =	stream.linear.gather [hbm4b:s31+s3], $0x80, $0x38;
	[tilespmem:$0x18100] =	vst v63  }
0x35: {  	_ =	swait.ge [sflag:s14], $0x80  }
0x36: {  	[sflag:s14] =	ssyncset.done $0x0  }
0x37: {  	[sflag:s14] =	ssyncadd.s32 $0xFFFFFF80  }
0x38: {  	[tilespmem:s3], [sflag:$0x1] =	stream.indirect.gather [hbm4b:s4+s17], $0x80, s15, s17, $0xb8;
	[tilespmem:$0x18100] =	vst v63  }
0x39: {  	_ =	swait.ge [sflag:s18], $0x4000  }
0x3a: {  	[sflag:s18] =	ssyncset.done $0x0  }
0x3b: {  	[sflag:s18] =	ssyncadd.s32 $0xFFFFC000  }
0x3c: {  	[spmem:s1] =	stream.indirect.scatter.add.f32 [tilespmem:s3], [sflag:$0x2], $0x80, s16, s17, $0xb8;
	[tilespmem:$0x18100] =	vst v63  }
0x3d: {  	_ =	swait.ge [sflag:s14], $0x4000  }
0x3e: {  	s23 =	simm.s32 $0x20;
	s22 =	simm.s32 $0x10;
	[sflag:s14] =	ssyncset.done $0x0  }
.LBB2_4:
0x3f: {  	s24 =	sadd.s32 s22, s13  }
0x40: {  	[sflag:s14] =	ssyncadd.s32 $0xFFFFC000;
	s25 =	smov.u32 s23;
	s26 =	sadd.s32 $0x10, s23  }
0x41: {  	[tilespmem:s15], [sflag:$0x2] =	stream.linear.gather [hbm4b:s24+s3], $0x80, $0x38;
	[tilespmem:$0x18100] =	vst v63  }
0x42: {  	p0 =	sne.s32 s23, $0x4E0;
	_ =	swait.ge [sflag:s14], $0x80  }
0x43: {  	[sflag:s14] =	ssyncset.done $0x0  }
0x44: {  	s23 =	sadd.s32 s22, s12;
	s22 =	smov.u32 s25;
	[sflag:s14] =	ssyncadd.s32 $0xFFFFFF80  }
0x45: {  	[tilespmem:s16], [sflag:$0x2] =	stream.linear.gather [hbm4b:s23+s3], $0x80, $0x38;
	[tilespmem:$0x18100] =	vst v63  }
0x46: {  	_ =	swait.ge [sflag:s14], $0x80  }
0x47: {  	[sflag:s14] =	ssyncset.done $0x0  }
0x48: {  	[sflag:s14] =	ssyncadd.s32 $0xFFFFFF80  }
0x49: {  	[tilespmem:s3], [sflag:$0x1] =	stream.indirect.gather [hbm4b:s4+s17], $0x80, s15, s17, $0xb8;
	[tilespmem:$0x18100] =	vst v63  }
0x4a: {  	_ =	swait.ge [sflag:s18], $0x4000  }
.Ltmp1:
0x4b: {  	[sflag:s18] =	ssyncset.done $0x0;
	(pc) =	sbr.rel @p0 .LBB2_4-.Ltmp1, $4  }
0x4c: {  	[sflag:s18] =	ssyncadd.s32 $0xFFFFC000  }
0x4d: {  	[spmem:s1] =	stream.indirect.scatter.add.f32 [tilespmem:s3], [sflag:$0x2], $0x80, s16, s17, $0xb8;
	[tilespmem:$0x18100] =	vst v63  }
0x4e: {  	_ =	swait.ge [sflag:s14], $0x4000  }
0x4f: {  	s23 =	smov.u32 s26;
	[sflag:s14] =	ssyncset.done $0x0  }
0x50: {  	s23 =	sadd.s32 s22, s13;
	[sflag:s14] =	ssyncadd.s32 $0xFFFFC000  }
0x51: {  	[tilespmem:s15], [sflag:$0x2] =	stream.linear.gather [hbm4b:s23+s3], $0x80, $0x38;
	[tilespmem:$0x18100] =	vst v63  }
0x52: {  	_ =	swait.ge [sflag:s14], $0x80  }
0x53: {  	[sflag:s14] =	ssyncset.done $0x0  }
0x54: {  	s31 =	sadd.s32 s22, s12;
	[sflag:s14] =	ssyncadd.s32 $0xFFFFFF80  }
0x55: {  	[tilespmem:s16], [sflag:$0x2] =	stream.linear.gather [hbm4b:s31+s3], $0x80, $0x38;
	[tilespmem:$0x18100] =	vst v63  }
0x56: {  	_ =	swait.ge [sflag:s14], $0x80  }
0x57: {  	[sflag:s14] =	ssyncset.done $0x0  }
0x58: {  	[sflag:s14] =	ssyncadd.s32 $0xFFFFFF80  }
0x59: {  	[tilespmem:s3], [sflag:$0x1] =	stream.indirect.gather [hbm4b:s4+s17], $0x80, s15, s17, $0xb8;
	[tilespmem:$0x18100] =	vst v63  }
0x5a: {  	_ =	swait.ge [sflag:s18], $0x4000  }
0x5b: {  	[sflag:s18] =	ssyncset.done $0x0  }
0x5c: {  	[sflag:s18] =	ssyncadd.s32 $0xFFFFC000  }
0x5d: {  	[spmem:s1] =	stream.indirect.scatter.add.f32 [tilespmem:s3], [sflag:$0x2], $0x80, s16, s17, $0xb8;
	[tilespmem:$0x18100] =	vst v63  }
0x5e: {  	_ =	swait.ge [sflag:s14], $0x4000  }
0x5f: {  	s21 =	sadd.s32 $0x1, s21;
	[sflag:s14] =	ssyncset.done $0x0  }
0x60: {  	p0 =	sne.s32 s21, s7;
	[sflag:s14] =	ssyncadd.s32 $0xFFFFC000  }
.Ltmp2:
0x61: {  	[bflag:$0x0] =	sbarrier.arrive $0xFFFF;
	(pc) =	sbr.rel @p0 .LBB2_1-.Ltmp2, $4  }
0x62: {  	[hbm:s6], [sflag:s19] =	dma.local [spmem:s20], $0x2800  }
0x63: {  	_ =	swait.ge [sflag:s14], $0x2800  }
0x64: {  	[sflag:s14] =	ssyncset.done $0x0  }
0x65: {  	[sflag:s14] =	ssyncadd.s32 $0xFFFFD800  }
0x66: {  	_ =	sfence.sel $0x180000  }
0x67: {  	[bflag:$0x0] =	sbarrier.arrive $0xFFFF  }
0x68: {  	p0 =	sne.s32 s2, $0x0;
	_ =	strace $0x9000004A  }
0x69: {  	s0 =	sadd.s32 @!p0 $0x100000, s0;
	[bflag:$0x2] =	sbarrier.arrive $0xFFFF  }
0x6a: {  	[sflag:s0] =	ssyncadd.tile.s32 @!p0 $0x1;
	_ =	shalt  }
.Lfunc_end2:
_tile_overlayer_lowered:
.L_overlay_start_2:
0x6b: {  	(tag) =	ssettag $0x2  }
0x6c: {  	s0 =	rddreg [dreg:$0x0];
	s2 =	stileid.u32  }
0x6d: {  	s1 =	rddreg [dreg:$0x1];
	p0 =	sne.s32 s2, $0x0  }
0x6e: {  	s3 =	rddreg [dreg:$0x2];
	[bflag:$0x3] =	sbarrier.arrive $0xFFFF;
	s2 =	simm.s32 @!p0 $0x1C02  }
0x6f: {  	[timem:s3], [sflag:s2] =	dma.local @!p0 [hbm:s0], s1  }
0x70: {  	s0 =	simm.s32 @!p0 $0x2  }
0x71: {  	_ =	swait.ge @!p0 [sflag:s0], s1  }
0x72: {  	s1 =	ssub.s32 @!p0 $0x0, s1;
	[sflag:s0] =	ssyncset.done @!p0 $0x0  }
0x73: {  	[sflag:s0] =	ssyncadd.s32 @!p0 s1  }
0x74: {  	[bflag:$0x3] =	sbarrier.arrive $0xFFFF  }
0x75: {  	_ =	shalt  }

// kernel: kernel.16.cloned.1.call-start
scs
__scs_entry_jumppad:
0x0: {  	(pc) =	sbr.rel $0x88, $3  }
0x1: {  	(tag) =	ssettag $0x0;
	lr =	simm.s32 $0x1  }
0x2: {  	[smem:$0x3F91] =	sst lr;
	_ =	strace $0xD0000000  }
0x3: {  	_ = 	snop  }
0x4: {  	_ = 	snop  }
0x5: {  	_ = 	snop  }
0x6: {  	_ = 	snop  }
0x7: {  	_ = 	snop  }
__scs_overlays_trampoline_lowered:
0x8: {  	[smem:$0x3FA0] =	sst s0  }
0x9: {  	[smem:$0x3FA1] =	sst s1  }
0xa: {  	[smem:$0x3FA2] =	sst s2  }
0xb: {  	[smem:$0x3FA3] =	sst s3  }
0xc: {  	[smem:$0x3FA4] =	sst s4  }
0xd: {  	[smem:$0x3FA5] =	sst s5  }
0xe: {  	[smem:$0x3FA6] =	sst s6  }
0xf: {  	[smem:$0x3FA7] =	sst s7  }
0x10: {  	[smem:$0x3FA8] =	sst s8  }
0x11: {  	[smem:$0x3FA9] =	sst s9;
	s0 =	simm.s32 @!p0 $0x0  }
0x12: {  	s1 =	sld [smem:$0x3F8F];
	s0 =	simm.s32 @p0 $0x1  }
0x13: {  	[smem:$0x3FAA] =	sst s0;
	s0 =	simm.s32 @!p1 $0x0  }
0x14: {  	s2 =	sld [smem:$0x3F8E];
	s0 =	simm.s32 @p1 $0x1  }
0x15: {  	[smem:$0x3FAB] =	sst s0;
	s0 =	simm.s32 @!p2 $0x0  }
0x16: {  	s3 =	sld [smem:$0x3FDB];
	s0 =	simm.s32 @p2 $0x1  }
0x17: {  	s4 =	simm.s32 $0x1BF5;
	[smem:$0x3FAD] =	sst s0  }
0x18: {  	s0 =	sld [smem:$0x3F90];
	_ =	swait.ge [sflag:s4], $0x0  }
0x19: {  	s7 =	sld [smem:$0x3F91]  }
0x1a: {  	s8 =	sadd.s32 $0xFFFFE003, lr  }
0x1b: {  	s9 =	sadd.s32 $0xFFFFFEF7, lr;
	s5 =	simm.s32 $0xFFFFFFFF;
	p2 =	slt.u32 s8, $0xFFFFF086  }
0x1c: {  	p1 =	slt.u32 s9, $0xF7A;
	s5 =	simm.s32 @!p2 $0x0  }
0x1d: {  	s5 =	simm.s32 @p1 $0x1;
	p0 =	seq.s32 s7, s2  }
0x1e: {  	s7 =	smul.u32 @!p0 $0xF7A, s2;
	p2 =	seq.s32 @!p0 s5, $0x0  }
0x1f: {  	s9 =	smul.u32 $0xF7A, s1;
	s8 =	simm.s32 @!p0 $0x1BF5;
	p2 =	por !p2, p0  }
0x20: {  	[sflag:s8] =	ssyncset.s32 @!p0 $0xFFFFF086;
	s6 =	sadd.s32 @!p0 s3, s7;
	s7 =	simm.s32 @!p0 $0x108  }
0x21: {  	s3 =	sadd.s32 s3, s9;
	s6 =	sadd.s32 @!p0 $0x88, s6;
	s7 =	simm.s32 @p2 $0x1082  }
0x22: {  	[simem:s7], [sflag:s8] =	dma.local @!p0 [hbm:s6], $0xF7A  }
0x23: {  	s9 =	sor.u32 $0xD0000000, s2;
	s6 =	simm.s32 $0x108;
	_ =	swait.ge @!p0 [sflag:s8], $0x0  }
0x24: {  	s3 =	sadd.s32 $0x88, s3;
	s6 =	simm.s32 @!p1 $0x1082;
	[sflag:s4] =	ssyncset.s32 $0xFFFFF086  }
0x25: {  	[simem:s6], [sflag:s4] =	dma.local [hbm:s3], $0xF7A  }
0x26: {  	[smem:$0x3F91] =	sst s1;
	(tag) =	ssettag s2;
	_ =	strace s9  }
0x27: {  	s1 =	sld [smem:$0x3FA1]  }
0x28: {  	s2 =	sld [smem:$0x3FA2]  }
0x29: {  	s4 =	sld [smem:$0x3FA4]  }
0x2a: {  	p0 =	seq.s32 s5, $0x0;
	s5 =	sld [smem:$0x3FA5]  }
0x2b: {  	s6 =	sld [smem:$0x3FA6]  }
0x2c: {  	s7 =	sld [smem:$0x3FA7]  }
0x2d: {  	s3 =	simm.s32 $0x108;
	s8 =	sld [smem:$0x3FA8]  }
0x2e: {  	s3 =	simm.s32 @!p0 $0x1082;
	s9 =	sld [smem:$0x3FA9]  }
0x2f: {  	lr =	sadd.s32 s0, s3;
	s0 =	sld [smem:$0x3FA0]  }
0x30: {  	s3 =	sld [smem:$0x3FA3]  }
0x31: {  	[smem:$0x3FAC] =	sst s10  }
0x32: {  	s10 =	sld [smem:$0x3FAA];
	_ =	sdelay $0x3  }
0x33: {  	p0 =	seq.s32 s10, $0x1;
	s10 =	sld [smem:$0x3FAC];
	_ =	sdelay $0x3  }
0x34: {  	[smem:$0x3FAC] =	sst s10  }
0x35: {  	s10 =	sld [smem:$0x3FAB];
	_ =	sdelay $0x3  }
0x36: {  	p1 =	seq.s32 s10, $0x1;
	s10 =	sld [smem:$0x3FAC];
	_ =	sdelay $0x3  }
0x37: {  	[smem:$0x3FAC] =	sst s10  }
0x38: {  	s10 =	sld [smem:$0x3FAD]  }
0x39: {  	_ = 	snop;
	(pc) =	sbr.ind lr, $3  }
0x3a: {  	_ = 	snop  }
0x3b: {  	_ = 	snop  }
0x3c: {  	p2 =	seq.s32 s10, $0x1;
	s10 =	sld [smem:$0x3FAC]  }
0x3d: {  	_ =	shalt  }
0x3e: {  	_ =	shalt  }
0x3f: {  	_ =	shalt  }
0x40: {  	_ =	shalt  }
0x41: {  	_ =	shalt  }
0x42: {  	_ =	shalt  }
0x43: {  	_ =	shalt  }
0x44: {  	_ =	shalt  }
0x45: {  	_ =	shalt  }
0x46: {  	_ =	shalt  }
0x47: {  	_ =	shalt  }
0x48: {  	_ =	shalt  }
0x49: {  	_ =	shalt  }
0x4a: {  	_ =	shalt  }
0x4b: {  	_ =	shalt  }
0x4c: {  	_ =	shalt  }
0x4d: {  	_ =	shalt  }
0x4e: {  	_ =	shalt  }
0x4f: {  	_ =	shalt  }
0x50: {  	_ =	shalt  }
0x51: {  	_ =	shalt  }
0x52: {  	_ =	shalt  }
0x53: {  	_ =	shalt  }
0x54: {  	_ =	shalt  }
0x55: {  	_ =	shalt  }
0x56: {  	_ =	shalt  }
0x57: {  	_ =	shalt  }
0x58: {  	_ =	shalt  }
0x59: {  	_ =	shalt  }
0x5a: {  	_ =	shalt  }
0x5b: {  	_ =	shalt  }
0x5c: {  	_ =	shalt  }
0x5d: {  	_ =	shalt  }
0x5e: {  	_ =	shalt  }
0x5f: {  	_ =	shalt  }
0x60: {  	_ =	shalt  }
0x61: {  	_ =	shalt  }
0x62: {  	_ =	shalt  }
0x63: {  	_ =	shalt  }
0x64: {  	_ =	shalt  }
0x65: {  	_ =	shalt  }
0x66: {  	_ =	shalt  }
0x67: {  	_ =	shalt  }
0x68: {  	_ =	shalt  }
0x69: {  	_ =	shalt  }
0x6a: {  	_ =	shalt  }
0x6b: {  	_ =	shalt  }
0x6c: {  	_ =	shalt  }
0x6d: {  	_ =	shalt  }
0x6e: {  	_ =	shalt  }
0x6f: {  	_ =	shalt  }
0x70: {  	_ =	shalt  }
0x71: {  	_ =	shalt  }
0x72: {  	_ =	shalt  }
0x73: {  	_ =	shalt  }
0x74: {  	_ =	shalt  }
0x75: {  	_ =	shalt  }
0x76: {  	_ =	shalt  }
0x77: {  	_ =	shalt  }
0x78: {  	_ =	shalt  }
0x79: {  	_ =	shalt  }
0x7a: {  	_ =	shalt  }
0x7b: {  	_ =	shalt  }
0x7c: {  	_ =	shalt  }
0x7d: {  	_ =	shalt  }
0x7e: {  	_ =	shalt  }
0x7f: {  	_ =	shalt  }
0x80: {  	_ =	shalt  }
0x81: {  	_ =	shalt  }
0x82: {  	_ =	shalt  }
0x83: {  	_ =	shalt  }
0x84: {  	_ =	shalt  }
0x85: {  	_ =	shalt  }
0x86: {  	_ =	shalt  }
0x87: {  	_ =	shalt  }
.Lfunc_end0:
.L_simem_size_0:
called_computation.2_lowered:
.L_overlay_start_0:
0x88: {  	s2 =	sld [smem:$0x3FD9]  }
0x89: {  	s3 =	sld [smem:$0x3FFE];
	_ =	sdelay $0x1  }
0x8a: {  	s1 =	srdreg.scid  }
0x8b: {  	s0 =	sand.u32 $0x1, s1  }
0x8c: {  	s16 =	sshll.u32 s0, $0xA;
	s2 =	sadd.s32 s3, s2  }
0x8d: {  	s2 =	sadd.s32 s2, s16  }
0x8e: {  	[smem:$0x3FB8] =	sst s2  }
0x8f: {  	_ = 	snop  }
0x90: {  	(tm) =	ssettm $0x1  }
0x91: {  	s17 =	sld [smem:$0x3FFB];
	_ =	sdelay $0x3  }
0x92: {  	_ =	strace s17  }
0x93: {  	s2 =	sld [smem:$0x3FFC];
	_ =	sdelay $0x3  }
0x94: {  	_ =	strace s2  }
0x95: {  	s2 =	sld [smem:$0x3FFD];
	_ =	sdelay $0x3  }
0x96: {  	_ =	strace s2  }
0x97: {  	_ =	strace $0x8FFFFFFF  }
0x98: {  	s18 =	sld [smem:$0x3FDB];
	_ =	sdelay $0x1  }
0x99: {  	s19 =	simm.s32 $_scs_section_size  }
0x9a: {  	s4 =	simm.s32 $_size__tile_overlayer_lowered;
	s5 =	simm.s32 $_tile_overlayer_lowered  }
0x9b: {  	s22 =	simm.s32 $0x1BFF;
	s21 =	sshll.u32 s5, $0x1;
	s2 =	sadd.s32 s19, s18  }
0x9c: {  	s6 =	simm.s32 $0x0;
	s20 =	sshll.u32 s4, $0x1;
	s4 =	sadd.s32 s21, s2  }
0x9d: {  	[timem:s6], [sflag:s22] =	dma.local [hbm:s4], s20  }
0x9e: {  	_ =	swait.ge [sflag:s22], s20  }
0x9f: {  	s3 =	ssub.s32 $0x0, s20;
	[sflag:s22] =	ssyncset.done $0x0  }
0xa0: {  	[sflag:s22] =	ssyncadd.s32 s3;
	_ =	sdelay $0x1  }
0xa1: {  	s23 =	simm.s32 $0x1B8B  }
0xa2: {  	_ =	swait.ge [sflag:s23], $0x1  }
0xa3: {  	[sflag:s23] =	ssyncset.done $0x0  }
0xa4: {  	s25 =	simm.s32 $0x1B8E;
	s24 =	sld [smem:$0x3FFE];
	[sflag:s23] =	ssyncadd.s32 $0xFFFFFFFF  }
0xa5: {  	s26 =	simm.s32 $execute0_lowered;
	[smem:$0x3FD2] =	sst s25  }
0xa6: {  	s4 =	sshll.u32 s26, $0x1;
	_ =	strace $0x8000004C;
	[dreg:$0x1] =	wrdreg $0xFFFFFFFF  }
0xa7: {  	s28 =	simm.s32 $_size_execute0_lowered;
	s2 =	sadd.s32 s2, s4;
	[dreg:$0x0] =	wrdreg $0x0  }
0xa8: {  	s4 =	sshll.u32 s28, $0x1;
	[dreg:$0x2] =	wrdreg s2  }
0xa9: {  	[dreg:$0x3] =	wrdreg s4  }
0xaa: {  	[dreg:$0x4] =	wrdreg $0xC0  }
0xab: {  	_ =	task [dreg:s6], $0x5FFFF  }
0xac: {  	[dreg:$0x1] =	wrdreg $0xFFFFFFFF  }
0xad: {  	[dreg:$0x0] =	wrdreg $0x60  }
0xae: {  	[dreg:$0x2] =	wrdreg s24  }
0xaf: {  	[dreg:$0x3] =	wrdreg $0x41000  }
0xb0: {  	[dreg:$0x4] =	wrdreg $0x9  }
0xb1: {  	_ =	task.clear_ibuf [dreg:s6], $0x5FFFF;
	_ =	strace $0x9000004C  }
0xb2: {  	s29 =	simm.s32 $0x9;
	_ =	strace $0x8000004E  }
0xb3: {  	_ =	swait.ge [sflag:s29], $0x1  }
0xb4: {  	[sflag:s29] =	ssyncadd.s32 $0xFFFFFFFF  }
0xb5: {  	_ =	strace $0x9000004E  }
0xb6: {  	_ =	sfence  }
0xb7: {  	s30 =	sld [smem:$0x0];
	_ =	sdelay $0x2  }
0xb8: {  	s31 =	sshll.u32 s1, $0xD;
	s1 =	sshrl.u32 s1, $0x2  }
0xb9: {  	s3 =	sand.u32 $0x4000, s31;
	s1 =	sadd.s32 s1, s30  }
0xba: {  	s0 =	sor.u32 s3, s0;
	s1 =	sshll.u32 s1, $0x11  }
0xbb: {  	s0 =	sor.u32 s1, s0  }
0xbc: {  	s0 =	sadd.s32 $0x8F2B, s0  }
0xbd: {  	[sflag:s0] =	ssyncadd.remote.s32 $0x1  }
0xbe: {  	_ =	sfence.sel $0xFFFF  }
0xbf: {  	[dreg:$0x0] =	wrdreg $0xFFFFFFFF;
	(pc) =	sbr.abs _section_cstart, $3  }
0xc0: {  	[dreg:$0x1] =	wrdreg $0xFFFFFFFF  }
0xc1: {  	_ =	task.clear_ibuf [dreg:s6], $0x2FFFF;
	_ =	strace $0x9FFFFFFF  }
0xc2: {  	(tm) =	ssettm $0x7FFFFFFF  }
0xc3: {  	_ =	shalt  }
tec
execute0_lowered:
.L_overlay_start_1:
0x0: {  	(tag) =	ssettag $0x1  }
0x1: {  	s5 =	rddreg [dreg:$0x0]  }
0x2: {  	s1 =	rddreg [dreg:$0x1];
	s2 =	srdreg.scid  }
0x3: {  	s0 =	rddreg [dreg:$0x2];
	s3 =	simm.s32 $0x0;
	s14 =	simm.s32 $0x2  }
0x4: {  	s15 =	simm.s32 $0x4000;
	s16 =	simm.s32 $0x4080;
	s6 =	sand.u32 $0x1, s2  }
0x5: {  	s17 =	simm.s32 $0x80;
	s2 =	stileid.u32;
	s7 =	smul.u32 $0x140000, s6  }
0x6: {  	s18 =	simm.s32 $0x1;
	s21 =	simm.s32 $0x0;
	s8 =	smul.u32 $0x14000, s2  }
0x7: {  	[smem:$0x7FF] =	sst s3;
	s4 =	sadd.s32 $0xD200, s5;
	s9 =	smul.u32 $0x9E0, s2  }
0x8: {  	_ =	strace $0x8000004D;
	s29 =	smul.u32 $0x50000, s2;
	s30 =	ssub.s32 $0x2, s6  }
0x9: {  	s12 =	smul.u32 $0x4F0, s6;
	s19 =	sshll.u32 s2, $0x6;
	s31 =	sshrl.u32 s30, $0x1  }
0xa: {  	s19 =	sor.u32 $0x1C02, s19;
	s7 =	sadd.s32 s8, s7;
	s11 =	sadd.s32 s9, s5  }
0xb: {  	s8 =	sshrl.u32 s29, $0x2;
	s9 =	ssub.s32 s30, s31;
	s7 =	sshrl.u32 s7, $0x3  }
0xc: {  	s13 =	sadd.s32 s12, s11;
	s7 =	sadd.s32 s7, s5;
	s5 =	sadd.s32 s8, s1  }
0xd: {  	s12 =	sadd.s32 $0x3400, s13;
	s13 =	sadd.s32 $0x5D200, s13;
	s6 =	sadd.s32 $0x67000, s7  }
0xe: {  	s7 =	smax.u32 s9, $0x1;
	s8 =	sadd.s32 $0x4000, s5;
	s9 =	sadd.s32 $0x8000, s5  }
0xf: {  	v0 =	vimm.f32 $0.0e+00;
	s10 =	sadd.s32 $0xC000, s5;
	s11 =	sadd.s32 $0x10000, s5;
	s20 =	sshrl.u32 s5, $0x3  }
.LBB2_1:
0x10: {  	s22 =	sand.u32 $0xFE00, s3  }
0x11: {  	s23 =	sand.u32 $0x70, s3;
	s24 =	sshrl.u32 s22, $0x2  }
0x12: {  	s22 =	simm.s32 $0x40;
	s24 =	sor.u32 s23, s24;
	s23 =	simm.s32 $0x0  }
.LBB2_2:
0x13: {  	p0 =	sne.s32 s22, $0xFFC0  }
0x14: {  	[tilespmem:s24+$0x0] =	vst v0;
	s23 =	sadd.s32 $0x10, s23;
	s24 =	smov.u32 s22;
	s22 =	sadd.s32 $0x40, s22  }
.Ltmp0:
0x15: {  	(pc) =	sbr.rel @p0 .LBB2_2-.Ltmp0, $4  }
0x16: {  	_ = 	snop  }
0x17: {  	s24 =	sand.u32 $0xFE00, s24  }
0x18: {  	s25 =	sand.u32 $0x70, s23;
	s24 =	sshrl.u32 s24, $0x2  }
0x19: {  	s24 =	sor.u32 s25, s24  }
0x1a: {  	[tilespmem:s24+$0x0] =	vst v0;
	s22 =	simm.s32 $0x0  }
0x1b: {  	[spmem:s5] =	stream.linear.scatter [tilespmem:s22], [sflag:$0x2], $0x4000, $0x38;
	[tilespmem:$0x18100] =	vst v63  }
0x1c: {  	_ =	swait.ge [sflag:s14], $0x4000  }
0x1d: {  	[sflag:s14] =	ssyncset.done $0x0  }
0x1e: {  	[sflag:s14] =	ssyncadd.s32 $0xFFFFC000  }
0x1f: {  	[spmem:s8] =	stream.linear.scatter [tilespmem:s22], [sflag:$0x2], $0x4000, $0x38;
	[tilespmem:$0x18100] =	vst v63  }
0x20: {  	_ =	swait.ge [sflag:s14], $0x4000  }
0x21: {  	[sflag:s14] =	ssyncset.done $0x0  }
0x22: {  	[sflag:s14] =	ssyncadd.s32 $0xFFFFC000  }
0x23: {  	[spmem:s9] =	stream.linear.scatter [tilespmem:s22], [sflag:$0x2], $0x4000, $0x38;
	[tilespmem:$0x18100] =	vst v63  }
0x24: {  	_ =	swait.ge [sflag:s14], $0x4000  }
0x25: {  	[sflag:s14] =	ssyncset.done $0x0  }
0x26: {  	[sflag:s14] =	ssyncadd.s32 $0xFFFFC000  }
0x27: {  	[spmem:s10] =	stream.linear.scatter [tilespmem:s22], [sflag:$0x2], $0x4000, $0x38;
	[tilespmem:$0x18100] =	vst v63  }
0x28: {  	_ =	swait.ge [sflag:s14], $0x4000  }
0x29: {  	[sflag:s14] =	ssyncset.done $0x0  }
0x2a: {  	[sflag:s14] =	ssyncadd.s32 $0xFFFFC000  }
0x2b: {  	[spmem:s11] =	stream.linear.scatter [tilespmem:s22], [sflag:$0x2], $0x4000, $0x38;
	[tilespmem:$0x18100] =	vst v63  }
0x2c: {  	_ =	swait.ge [sflag:s14], $0x4000  }
0x2d: {  	[sflag:s14] =	ssyncset.done $0x0  }
0x2e: {  	[sflag:s14] =	ssyncadd.s32 $0xFFFFC000  }
0x2f: {  	s30 =	sadd.s32 $0x0, s13;
	[bflag:$0x0] =	sbarrier.arrive $0xFFFF  }
0x30: {  	[tilespmem:s15], [sflag:$0x2] =	stream.linear.gather [hbm4b:s30+s3], $0x80, $0x38;
	[tilespmem:$0x18100] =	vst v63  }
0x31: {  	_ =	swait.ge [sflag:s14], $0x80  }
0x32: {  	[sflag:s14] =	ssyncset.done $0x0  }
0x33: {  	s31 =	sadd.s32 $0x0, s12;
	[sflag:s14] =	ssyncadd.s32 $0xFFFFFF80  }
0x34: {  	[tilespmem:s16], [sflag:$0x2] =	stream.linear.gather [hbm4b:s31+s3], $0x80, $0x38;
	[tilespmem:$0x18100] =	vst v63  }
0x35: {  	_ =	swait.ge [sflag:s14], $0x80  }
0x36: {  	[sflag:s14] =	ssyncset.done $0x0  }
0x37: {  	[sflag:s14] =	ssyncadd.s32 $0xFFFFFF80  }
0x38: {  	[tilespmem:s3], [sflag:$0x1] =	stream.indirect.gather [hbm4b:s4+s17], $0x80, s15, s17, $0xb8;
	[tilespmem:$0x18100] =	vst v63  }
0x39: {  	_ =	swait.ge [sflag:s18], $0x4000  }
0x3a: {  	[sflag:s18] =	ssyncset.done $0x0  }
0x3b: {  	[sflag:s18] =	ssyncadd.s32 $0xFFFFC000  }
0x3c: {  	[spmem:s1] =	stream.indirect.scatter.add.f32 [tilespmem:s3], [sflag:$0x2], $0x80, s16, s17, $0xb8;
	[tilespmem:$0x18100] =	vst v63  }
0x3d: {  	_ =	swait.ge [sflag:s14], $0x4000  }
0x3e: {  	s23 =	simm.s32 $0x20;
	s22 =	simm.s32 $0x10;
	[sflag:s14] =	ssyncset.done $0x0  }
.LBB2_4:
0x3f: {  	s24 =	sadd.s32 s22, s13  }
0x40: {  	[sflag:s14] =	ssyncadd.s32 $0xFFFFC000;
	s25 =	smov.u32 s23;
	s26 =	sadd.s32 $0x10, s23  }
0x41: {  	[tilespmem:s15], [sflag:$0x2] =	stream.linear.gather [hbm4b:s24+s3], $0x80, $0x38;
	[tilespmem:$0x18100] =	vst v63  }
0x42: {  	p0 =	sne.s32 s23, $0x4E0;
	_ =	swait.ge [sflag:s14], $0x80  }
0x43: {  	[sflag:s14] =	ssyncset.done $0x0  }
0x44: {  	s23 =	sadd.s32 s22, s12;
	s22 =	smov.u32 s25;
	[sflag:s14] =	ssyncadd.s32 $0xFFFFFF80  }
0x45: {  	[tilespmem:s16], [sflag:$0x2] =	stream.linear.gather [hbm4b:s23+s3], $0x80, $0x38;
	[tilespmem:$0x18100] =	vst v63  }
0x46: {  	_ =	swait.ge [sflag:s14], $0x80  }
0x47: {  	[sflag:s14] =	ssyncset.done $0x0  }
0x48: {  	[sflag:s14] =	ssyncadd.s32 $0xFFFFFF80  }
0x49: {  	[tilespmem:s3], [sflag:$0x1] =	stream.indirect.gather [hbm4b:s4+s17], $0x80, s15, s17, $0xb8;
	[tilespmem:$0x18100] =	vst v63  }
0x4a: {  	_ =	swait.ge [sflag:s18], $0x4000  }
.Ltmp1:
0x4b: {  	[sflag:s18] =	ssyncset.done $0x0;
	(pc) =	sbr.rel @p0 .LBB2_4-.Ltmp1, $4  }
0x4c: {  	[sflag:s18] =	ssyncadd.s32 $0xFFFFC000  }
0x4d: {  	[spmem:s1] =	stream.indirect.scatter.add.f32 [tilespmem:s3], [sflag:$0x2], $0x80, s16, s17, $0xb8;
	[tilespmem:$0x18100] =	vst v63  }
0x4e: {  	_ =	swait.ge [sflag:s14], $0x4000  }
0x4f: {  	s23 =	smov.u32 s26;
	[sflag:s14] =	ssyncset.done $0x0  }
0x50: {  	s23 =	sadd.s32 s22, s13;
	[sflag:s14] =	ssyncadd.s32 $0xFFFFC000  }
0x51: {  	[tilespmem:s15], [sflag:$0x2] =	stream.linear.gather [hbm4b:s23+s3], $0x80, $0x38;
	[tilespmem:$0x18100] =	vst v63  }
0x52: {  	_ =	swait.ge [sflag:s14], $0x80  }
0x53: {  	[sflag:s14] =	ssyncset.done $0x0  }
0x54: {  	s31 =	sadd.s32 s22, s12;
	[sflag:s14] =	ssyncadd.s32 $0xFFFFFF80  }
0x55: {  	[tilespmem:s16], [sflag:$0x2] =	stream.linear.gather [hbm4b:s31+s3], $0x80, $0x38;
	[tilespmem:$0x18100] =	vst v63  }
0x56: {  	_ =	swait.ge [sflag:s14], $0x80  }
0x57: {  	[sflag:s14] =	ssyncset.done $0x0  }
0x58: {  	[sflag:s14] =	ssyncadd.s32 $0xFFFFFF80  }
0x59: {  	[tilespmem:s3], [sflag:$0x1] =	stream.indirect.gather [hbm4b:s4+s17], $0x80, s15, s17, $0xb8;
	[tilespmem:$0x18100] =	vst v63  }
0x5a: {  	_ =	swait.ge [sflag:s18], $0x4000  }
0x5b: {  	[sflag:s18] =	ssyncset.done $0x0  }
0x5c: {  	[sflag:s18] =	ssyncadd.s32 $0xFFFFC000  }
0x5d: {  	[spmem:s1] =	stream.indirect.scatter.add.f32 [tilespmem:s3], [sflag:$0x2], $0x80, s16, s17, $0xb8;
	[tilespmem:$0x18100] =	vst v63  }
0x5e: {  	_ =	swait.ge [sflag:s14], $0x4000  }
0x5f: {  	s21 =	sadd.s32 $0x1, s21;
	[sflag:s14] =	ssyncset.done $0x0  }
0x60: {  	p0 =	sne.s32 s21, s7;
	[sflag:s14] =	ssyncadd.s32 $0xFFFFC000  }
.Ltmp2:
0x61: {  	[bflag:$0x0] =	sbarrier.arrive $0xFFFF;
	(pc) =	sbr.rel @p0 .LBB2_1-.Ltmp2, $4  }
0x62: {  	[hbm:s6], [sflag:s19] =	dma.local [spmem:s20], $0x2800  }
0x63: {  	_ =	swait.ge [sflag:s14], $0x2800  }
0x64: {  	[sflag:s14] =	ssyncset.done $0x0  }
0x65: {  	[sflag:s14] =	ssyncadd.s32 $0xFFFFD800  }
0x66: {  	_ =	sfence.sel $0x180000  }
0x67: {  	[bflag:$0x0] =	sbarrier.arrive $0xFFFF  }
0x68: {  	p0 =	sne.s32 s2, $0x0;
	_ =	strace $0x9000004D  }
0x69: {  	s0 =	sadd.s32 @!p0 $0x100000, s0;
	[bflag:$0x2] =	sbarrier.arrive $0xFFFF  }
0x6a: {  	[sflag:s0] =	ssyncadd.tile.s32 @!p0 $0x1;
	_ =	shalt  }
.Lfunc_end2:
_tile_overlayer_lowered:
.L_overlay_start_2:
0x6b: {  	(tag) =	ssettag $0x2  }
0x6c: {  	s0 =	rddreg [dreg:$0x0];
	s2 =	stileid.u32  }
0x6d: {  	s1 =	rddreg [dreg:$0x1];
	p0 =	sne.s32 s2, $0x0  }
0x6e: {  	s3 =	rddreg [dreg:$0x2];
	[bflag:$0x3] =	sbarrier.arrive $0xFFFF;
	s2 =	simm.s32 @!p0 $0x1C02  }
0x6f: {  	[timem:s3], [sflag:s2] =	dma.local @!p0 [hbm:s0], s1  }
0x70: {  	s0 =	simm.s32 @!p0 $0x2  }
0x71: {  	_ =	swait.ge @!p0 [sflag:s0], s1  }
0x72: {  	s1 =	ssub.s32 @!p0 $0x0, s1;
	[sflag:s0] =	ssyncset.done @!p0 $0x0  }
0x73: {  	[sflag:s0] =	ssyncadd.s32 @!p0 s1  }
0x74: {  	[bflag:$0x3] =	sbarrier.arrive $0xFFFF  }
0x75: {  	_ =	shalt  }

// kernel: kernel.19.cloned.1.call-start
scs
__scs_entry_jumppad:
0x0: {  	(pc) =	sbr.rel $0x88, $3  }
0x1: {  	(tag) =	ssettag $0x0;
	lr =	simm.s32 $0x1  }
0x2: {  	[smem:$0x3F91] =	sst lr;
	_ =	strace $0xD0000000  }
0x3: {  	_ = 	snop  }
0x4: {  	_ = 	snop  }
0x5: {  	_ = 	snop  }
0x6: {  	_ = 	snop  }
0x7: {  	_ = 	snop  }
__scs_overlays_trampoline_lowered:
0x8: {  	[smem:$0x3FA0] =	sst s0  }
0x9: {  	[smem:$0x3FA1] =	sst s1  }
0xa: {  	[smem:$0x3FA2] =	sst s2  }
0xb: {  	[smem:$0x3FA3] =	sst s3  }
0xc: {  	[smem:$0x3FA4] =	sst s4  }
0xd: {  	[smem:$0x3FA5] =	sst s5  }
0xe: {  	[smem:$0x3FA6] =	sst s6  }
0xf: {  	[smem:$0x3FA7] =	sst s7  }
0x10: {  	[smem:$0x3FA8] =	sst s8  }
0x11: {  	[smem:$0x3FA9] =	sst s9;
	s0 =	simm.s32 @!p0 $0x0  }
0x12: {  	s1 =	sld [smem:$0x3F8F];
	s0 =	simm.s32 @p0 $0x1  }
0x13: {  	[smem:$0x3FAA] =	sst s0;
	s0 =	simm.s32 @!p1 $0x0  }
0x14: {  	s2 =	sld [smem:$0x3F8E];
	s0 =	simm.s32 @p1 $0x1  }
0x15: {  	[smem:$0x3FAB] =	sst s0;
	s0 =	simm.s32 @!p2 $0x0  }
0x16: {  	s3 =	sld [smem:$0x3FDB];
	s0 =	simm.s32 @p2 $0x1  }
0x17: {  	s4 =	simm.s32 $0x1BF5;
	[smem:$0x3FAD] =	sst s0  }
0x18: {  	s0 =	sld [smem:$0x3F90];
	_ =	swait.ge [sflag:s4], $0x0  }
0x19: {  	s7 =	sld [smem:$0x3F91]  }
0x1a: {  	s8 =	sadd.s32 $0xFFFFE003, lr  }
0x1b: {  	s9 =	sadd.s32 $0xFFFFFEF7, lr;
	s5 =	simm.s32 $0xFFFFFFFF;
	p2 =	slt.u32 s8, $0xFFFFF086  }
0x1c: {  	p1 =	slt.u32 s9, $0xF7A;
	s5 =	simm.s32 @!p2 $0x0  }
0x1d: {  	s5 =	simm.s32 @p1 $0x1;
	p0 =	seq.s32 s7, s2  }
0x1e: {  	s7 =	smul.u32 @!p0 $0xF7A, s2;
	p2 =	seq.s32 @!p0 s5, $0x0  }
0x1f: {  	s9 =	smul.u32 $0xF7A, s1;
	s8 =	simm.s32 @!p0 $0x1BF5;
	p2 =	por !p2, p0  }
0x20: {  	[sflag:s8] =	ssyncset.s32 @!p0 $0xFFFFF086;
	s6 =	sadd.s32 @!p0 s3, s7;
	s7 =	simm.s32 @!p0 $0x108  }
0x21: {  	s3 =	sadd.s32 s3, s9;
	s6 =	sadd.s32 @!p0 $0x88, s6;
	s7 =	simm.s32 @p2 $0x1082  }
0x22: {  	[simem:s7], [sflag:s8] =	dma.local @!p0 [hbm:s6], $0xF7A  }
0x23: {  	s9 =	sor.u32 $0xD0000000, s2;
	s6 =	simm.s32 $0x108;
	_ =	swait.ge @!p0 [sflag:s8], $0x0  }
0x24: {  	s3 =	sadd.s32 $0x88, s3;
	s6 =	simm.s32 @!p1 $0x1082;
	[sflag:s4] =	ssyncset.s32 $0xFFFFF086  }
0x25: {  	[simem:s6], [sflag:s4] =	dma.local [hbm:s3], $0xF7A  }
0x26: {  	[smem:$0x3F91] =	sst s1;
	(tag) =	ssettag s2;
	_ =	strace s9  }
0x27: {  	s1 =	sld [smem:$0x3FA1]  }
0x28: {  	s2 =	sld [smem:$0x3FA2]  }
0x29: {  	s4 =	sld [smem:$0x3FA4]  }
0x2a: {  	p0 =	seq.s32 s5, $0x0;
	s5 =	sld [smem:$0x3FA5]  }
0x2b: {  	s6 =	sld [smem:$0x3FA6]  }
0x2c: {  	s7 =	sld [smem:$0x3FA7]  }
0x2d: {  	s3 =	simm.s32 $0x108;
	s8 =	sld [smem:$0x3FA8]  }
0x2e: {  	s3 =	simm.s32 @!p0 $0x1082;
	s9 =	sld [smem:$0x3FA9]  }
0x2f: {  	lr =	sadd.s32 s0, s3;
	s0 =	sld [smem:$0x3FA0]  }
0x30: {  	s3 =	sld [smem:$0x3FA3]  }
0x31: {  	[smem:$0x3FAC] =	sst s10  }
0x32: {  	s10 =	sld [smem:$0x3FAA];
	_ =	sdelay $0x3  }
0x33: {  	p0 =	seq.s32 s10, $0x1;
	s10 =	sld [smem:$0x3FAC];
	_ =	sdelay $0x3  }
0x34: {  	[smem:$0x3FAC] =	sst s10  }
0x35: {  	s10 =	sld [smem:$0x3FAB];
	_ =	sdelay $0x3  }
0x36: {  	p1 =	seq.s32 s10, $0x1;
	s10 =	sld [smem:$0x3FAC];
	_ =	sdelay $0x3  }
0x37: {  	[smem:$0x3FAC] =	sst s10  }
0x38: {  	s10 =	sld [smem:$0x3FAD]  }
0x39: {  	_ = 	snop;
	(pc) =	sbr.ind lr, $3  }
0x3a: {  	_ = 	snop  }
0x3b: {  	_ = 	snop  }
0x3c: {  	p2 =	seq.s32 s10, $0x1;
	s10 =	sld [smem:$0x3FAC]  }
0x3d: {  	_ =	shalt  }
0x3e: {  	_ =	shalt  }
0x3f: {  	_ =	shalt  }
0x40: {  	_ =	shalt  }
0x41: {  	_ =	shalt  }
0x42: {  	_ =	shalt  }
0x43: {  	_ =	shalt  }
0x44: {  	_ =	shalt  }
0x45: {  	_ =	shalt  }
0x46: {  	_ =	shalt  }
0x47: {  	_ =	shalt  }
0x48: {  	_ =	shalt  }
0x49: {  	_ =	shalt  }
0x4a: {  	_ =	shalt  }
0x4b: {  	_ =	shalt  }
0x4c: {  	_ =	shalt  }
0x4d: {  	_ =	shalt  }
0x4e: {  	_ =	shalt  }
0x4f: {  	_ =	shalt  }
0x50: {  	_ =	shalt  }
0x51: {  	_ =	shalt  }
0x52: {  	_ =	shalt  }
0x53: {  	_ =	shalt  }
0x54: {  	_ =	shalt  }
0x55: {  	_ =	shalt  }
0x56: {  	_ =	shalt  }
0x57: {  	_ =	shalt  }
0x58: {  	_ =	shalt  }
0x59: {  	_ =	shalt  }
0x5a: {  	_ =	shalt  }
0x5b: {  	_ =	shalt  }
0x5c: {  	_ =	shalt  }
0x5d: {  	_ =	shalt  }
0x5e: {  	_ =	shalt  }
0x5f: {  	_ =	shalt  }
0x60: {  	_ =	shalt  }
0x61: {  	_ =	shalt  }
0x62: {  	_ =	shalt  }
0x63: {  	_ =	shalt  }
0x64: {  	_ =	shalt  }
0x65: {  	_ =	shalt  }
0x66: {  	_ =	shalt  }
0x67: {  	_ =	shalt  }
0x68: {  	_ =	shalt  }
0x69: {  	_ =	shalt  }
0x6a: {  	_ =	shalt  }
0x6b: {  	_ =	shalt  }
0x6c: {  	_ =	shalt  }
0x6d: {  	_ =	shalt  }
0x6e: {  	_ =	shalt  }
0x6f: {  	_ =	shalt  }
0x70: {  	_ =	shalt  }
0x71: {  	_ =	shalt  }
0x72: {  	_ =	shalt  }
0x73: {  	_ =	shalt  }
0x74: {  	_ =	shalt  }
0x75: {  	_ =	shalt  }
0x76: {  	_ =	shalt  }
0x77: {  	_ =	shalt  }
0x78: {  	_ =	shalt  }
0x79: {  	_ =	shalt  }
0x7a: {  	_ =	shalt  }
0x7b: {  	_ =	shalt  }
0x7c: {  	_ =	shalt  }
0x7d: {  	_ =	shalt  }
0x7e: {  	_ =	shalt  }
0x7f: {  	_ =	shalt  }
0x80: {  	_ =	shalt  }
0x81: {  	_ =	shalt  }
0x82: {  	_ =	shalt  }
0x83: {  	_ =	shalt  }
0x84: {  	_ =	shalt  }
0x85: {  	_ =	shalt  }
0x86: {  	_ =	shalt  }
0x87: {  	_ =	shalt  }
.Lfunc_end0:
.L_simem_size_0:
called_computation.3_lowered:
.L_overlay_start_0:
0x88: {  	s2 =	sld [smem:$0x3FD9]  }
0x89: {  	s3 =	sld [smem:$0x3FFE];
	_ =	sdelay $0x1  }
0x8a: {  	s1 =	srdreg.scid  }
0x8b: {  	s0 =	sand.u32 $0x1, s1  }
0x8c: {  	s16 =	sshll.u32 s0, $0xA;
	s2 =	sadd.s32 s3, s2  }
0x8d: {  	s2 =	sadd.s32 s2, s16  }
0x8e: {  	[smem:$0x3FB8] =	sst s2  }
0x8f: {  	_ = 	snop  }
0x90: {  	(tm) =	ssettm $0x1  }
0x91: {  	s17 =	sld [smem:$0x3FFB];
	_ =	sdelay $0x3  }
0x92: {  	_ =	strace s17  }
0x93: {  	s2 =	sld [smem:$0x3FFC];
	_ =	sdelay $0x3  }
0x94: {  	_ =	strace s2  }
0x95: {  	s2 =	sld [smem:$0x3FFD];
	_ =	sdelay $0x3  }
0x96: {  	_ =	strace s2  }
0x97: {  	_ =	strace $0x8FFFFFFF  }
0x98: {  	s18 =	sld [smem:$0x3FDB];
	_ =	sdelay $0x1  }
0x99: {  	s19 =	simm.s32 $_scs_section_size  }
0x9a: {  	s4 =	simm.s32 $_size__tile_overlayer_lowered;
	s5 =	simm.s32 $_tile_overlayer_lowered  }
0x9b: {  	s22 =	simm.s32 $0x1BFF;
	s21 =	sshll.u32 s5, $0x1;
	s2 =	sadd.s32 s19, s18  }
0x9c: {  	s6 =	simm.s32 $0x0;
	s20 =	sshll.u32 s4, $0x1;
	s4 =	sadd.s32 s21, s2  }
0x9d: {  	[timem:s6], [sflag:s22] =	dma.local [hbm:s4], s20  }
0x9e: {  	_ =	swait.ge [sflag:s22], s20  }
0x9f: {  	s3 =	ssub.s32 $0x0, s20;
	[sflag:s22] =	ssyncset.done $0x0  }
0xa0: {  	[sflag:s22] =	ssyncadd.s32 s3;
	_ =	sdelay $0x1  }
0xa1: {  	s23 =	simm.s32 $0x1B8B  }
0xa2: {  	_ =	swait.ge [sflag:s23], $0x1  }
0xa3: {  	[sflag:s23] =	ssyncset.done $0x0  }
0xa4: {  	s25 =	simm.s32 $0x1B8E;
	s24 =	sld [smem:$0x3FFE];
	[sflag:s23] =	ssyncadd.s32 $0xFFFFFFFF  }
0xa5: {  	s26 =	simm.s32 $execute0_lowered;
	[smem:$0x3FD2] =	sst s25  }
0xa6: {  	s4 =	sshll.u32 s26, $0x1;
	_ =	strace $0x8000004F;
	[dreg:$0x1] =	wrdreg $0xFFFFFFFF  }
0xa7: {  	s28 =	simm.s32 $_size_execute0_lowered;
	s2 =	sadd.s32 s2, s4;
	[dreg:$0x0] =	wrdreg $0x0  }
0xa8: {  	s4 =	sshll.u32 s28, $0x1;
	[dreg:$0x2] =	wrdreg s2  }
0xa9: {  	[dreg:$0x3] =	wrdreg s4  }
0xaa: {  	[dreg:$0x4] =	wrdreg $0xC0  }
0xab: {  	_ =	task [dreg:s6], $0x5FFFF  }
0xac: {  	[dreg:$0x1] =	wrdreg $0xFFFFFFFF  }
0xad: {  	[dreg:$0x0] =	wrdreg $0x60  }
0xae: {  	[dreg:$0x2] =	wrdreg s24  }
0xaf: {  	[dreg:$0x3] =	wrdreg $0x41000  }
0xb0: {  	[dreg:$0x4] =	wrdreg $0x9  }
0xb1: {  	_ =	task.clear_ibuf [dreg:s6], $0x5FFFF;
	_ =	strace $0x9000004F  }
0xb2: {  	s29 =	simm.s32 $0x9;
	_ =	strace $0x80000051  }
0xb3: {  	_ =	swait.ge [sflag:s29], $0x1  }
0xb4: {  	[sflag:s29] =	ssyncadd.s32 $0xFFFFFFFF  }
0xb5: {  	_ =	strace $0x90000051  }
0xb6: {  	_ =	sfence  }
0xb7: {  	s30 =	sld [smem:$0x0];
	_ =	sdelay $0x2  }
0xb8: {  	s31 =	sshll.u32 s1, $0xD;
	s1 =	sshrl.u32 s1, $0x2  }
0xb9: {  	s3 =	sand.u32 $0x4000, s31;
	s1 =	sadd.s32 s1, s30  }
0xba: {  	s0 =	sor.u32 s3, s0;
	s1 =	sshll.u32 s1, $0x11  }
0xbb: {  	s0 =	sor.u32 s1, s0  }
0xbc: {  	s0 =	sadd.s32 $0x8F2B, s0  }
0xbd: {  	[sflag:s0] =	ssyncadd.remote.s32 $0x1  }
0xbe: {  	_ =	sfence.sel $0xFFFF  }
0xbf: {  	[dreg:$0x0] =	wrdreg $0xFFFFFFFF;
	(pc) =	sbr.abs _section_cstart, $3  }
0xc0: {  	[dreg:$0x1] =	wrdreg $0xFFFFFFFF  }
0xc1: {  	_ =	task.clear_ibuf [dreg:s6], $0x2FFFF;
	_ =	strace $0x9FFFFFFF  }
0xc2: {  	(tm) =	ssettm $0x7FFFFFFF  }
0xc3: {  	_ =	shalt  }
tec
execute0_lowered:
.L_overlay_start_1:
0x0: {  	(tag) =	ssettag $0x1  }
0x1: {  	s5 =	rddreg [dreg:$0x0]  }
0x2: {  	s1 =	rddreg [dreg:$0x1];
	s2 =	srdreg.scid  }
0x3: {  	s0 =	rddreg [dreg:$0x2];
	s3 =	simm.s32 $0x0;
	s14 =	simm.s32 $0x2  }
0x4: {  	s15 =	simm.s32 $0x4000;
	s16 =	simm.s32 $0x4080;
	s6 =	sand.u32 $0x1, s2  }
0x5: {  	s17 =	simm.s32 $0x80;
	s2 =	stileid.u32;
	s7 =	smul.u32 $0x140000, s6  }
0x6: {  	s18 =	simm.s32 $0x1;
	s21 =	simm.s32 $0x0;
	s8 =	smul.u32 $0x14000, s2  }
0x7: {  	[smem:$0x7FF] =	sst s3;
	s4 =	sadd.s32 $0xD200, s5;
	s9 =	smul.u32 $0x9E0, s2  }
0x8: {  	_ =	strace $0x80000050;
	s29 =	smul.u32 $0x50000, s2;
	s30 =	ssub.s32 $0x2, s6  }
0x9: {  	s12 =	smul.u32 $0x4F0, s6;
	s19 =	sshll.u32 s2, $0x6;
	s31 =	sshrl.u32 s30, $0x1  }
0xa: {  	s19 =	sor.u32 $0x1C02, s19;
	s7 =	sadd.s32 s8, s7;
	s11 =	sadd.s32 s9, s5  }
0xb: {  	s8 =	sshrl.u32 s29, $0x2;
	s9 =	ssub.s32 s30, s31;
	s7 =	sshrl.u32 s7, $0x3  }
0xc: {  	s13 =	sadd.s32 s12, s11;
	s7 =	sadd.s32 s7, s5;
	s5 =	sadd.s32 s8, s1  }
0xd: {  	s12 =	sadd.s32 $0x3400, s13;
	s13 =	sadd.s32 $0x5D200, s13;
	s6 =	sadd.s32 $0x67000, s7  }
0xe: {  	s7 =	smax.u32 s9, $0x1;
	s8 =	sadd.s32 $0x4000, s5;
	s9 =	sadd.s32 $0x8000, s5  }
0xf: {  	v0 =	vimm.f32 $0.0e+00;
	s10 =	sadd.s32 $0xC000, s5;
	s11 =	sadd.s32 $0x10000, s5;
	s20 =	sshrl.u32 s5, $0x3  }
.LBB2_1:
0x10: {  	s22 =	sand.u32 $0xFE00, s3  }
0x11: {  	s23 =	sand.u32 $0x70, s3;
	s24 =	sshrl.u32 s22, $0x2  }
0x12: {  	s22 =	simm.s32 $0x40;
	s24 =	sor.u32 s23, s24;
	s23 =	simm.s32 $0x0  }
.LBB2_2:
0x13: {  	p0 =	sne.s32 s22, $0xFFC0  }
0x14: {  	[tilespmem:s24+$0x0] =	vst v0;
	s23 =	sadd.s32 $0x10, s23;
	s24 =	smov.u32 s22;
	s22 =	sadd.s32 $0x40, s22  }
.Ltmp0:
0x15: {  	(pc) =	sbr.rel @p0 .LBB2_2-.Ltmp0, $4  }
0x16: {  	_ = 	snop  }
0x17: {  	s24 =	sand.u32 $0xFE00, s24  }
0x18: {  	s25 =	sand.u32 $0x70, s23;
	s24 =	sshrl.u32 s24, $0x2  }
0x19: {  	s24 =	sor.u32 s25, s24  }
0x1a: {  	[tilespmem:s24+$0x0] =	vst v0;
	s22 =	simm.s32 $0x0  }
0x1b: {  	[spmem:s5] =	stream.linear.scatter [tilespmem:s22], [sflag:$0x2], $0x4000, $0x38;
	[tilespmem:$0x18100] =	vst v63  }
0x1c: {  	_ =	swait.ge [sflag:s14], $0x4000  }
0x1d: {  	[sflag:s14] =	ssyncset.done $0x0  }
0x1e: {  	[sflag:s14] =	ssyncadd.s32 $0xFFFFC000  }
0x1f: {  	[spmem:s8] =	stream.linear.scatter [tilespmem:s22], [sflag:$0x2], $0x4000, $0x38;
	[tilespmem:$0x18100] =	vst v63  }
0x20: {  	_ =	swait.ge [sflag:s14], $0x4000  }
0x21: {  	[sflag:s14] =	ssyncset.done $0x0  }
0x22: {  	[sflag:s14] =	ssyncadd.s32 $0xFFFFC000  }
0x23: {  	[spmem:s9] =	stream.linear.scatter [tilespmem:s22], [sflag:$0x2], $0x4000, $0x38;
	[tilespmem:$0x18100] =	vst v63  }
0x24: {  	_ =	swait.ge [sflag:s14], $0x4000  }
0x25: {  	[sflag:s14] =	ssyncset.done $0x0  }
0x26: {  	[sflag:s14] =	ssyncadd.s32 $0xFFFFC000  }
0x27: {  	[spmem:s10] =	stream.linear.scatter [tilespmem:s22], [sflag:$0x2], $0x4000, $0x38;
	[tilespmem:$0x18100] =	vst v63  }
0x28: {  	_ =	swait.ge [sflag:s14], $0x4000  }
0x29: {  	[sflag:s14] =	ssyncset.done $0x0  }
0x2a: {  	[sflag:s14] =	ssyncadd.s32 $0xFFFFC000  }
0x2b: {  	[spmem:s11] =	stream.linear.scatter [tilespmem:s22], [sflag:$0x2], $0x4000, $0x38;
	[tilespmem:$0x18100] =	vst v63  }
0x2c: {  	_ =	swait.ge [sflag:s14], $0x4000  }
0x2d: {  	[sflag:s14] =	ssyncset.done $0x0  }
0x2e: {  	[sflag:s14] =	ssyncadd.s32 $0xFFFFC000  }
0x2f: {  	s30 =	sadd.s32 $0x0, s13;
	[bflag:$0x0] =	sbarrier.arrive $0xFFFF  }
0x30: {  	[tilespmem:s15], [sflag:$0x2] =	stream.linear.gather [hbm4b:s30+s3], $0x80, $0x38;
	[tilespmem:$0x18100] =	vst v63  }
0x31: {  	_ =	swait.ge [sflag:s14], $0x80  }
0x32: {  	[sflag:s14] =	ssyncset.done $0x0  }
0x33: {  	s31 =	sadd.s32 $0x0, s12;
	[sflag:s14] =	ssyncadd.s32 $0xFFFFFF80  }
0x34: {  	[tilespmem:s16], [sflag:$0x2] =	stream.linear.gather [hbm4b:s31+s3], $0x80, $0x38;
	[tilespmem:$0x18100] =	vst v63  }
0x35: {  	_ =	swait.ge [sflag:s14], $0x80  }
0x36: {  	[sflag:s14] =	ssyncset.done $0x0  }
0x37: {  	[sflag:s14] =	ssyncadd.s32 $0xFFFFFF80  }
0x38: {  	[tilespmem:s3], [sflag:$0x1] =	stream.indirect.gather [hbm4b:s4+s17], $0x80, s15, s17, $0xb8;
	[tilespmem:$0x18100] =	vst v63  }
0x39: {  	_ =	swait.ge [sflag:s18], $0x4000  }
0x3a: {  	[sflag:s18] =	ssyncset.done $0x0  }
0x3b: {  	[sflag:s18] =	ssyncadd.s32 $0xFFFFC000  }
0x3c: {  	[spmem:s1] =	stream.indirect.scatter.add.f32 [tilespmem:s3], [sflag:$0x2], $0x80, s16, s17, $0xb8;
	[tilespmem:$0x18100] =	vst v63  }
0x3d: {  	_ =	swait.ge [sflag:s14], $0x4000  }
0x3e: {  	s23 =	simm.s32 $0x20;
	s22 =	simm.s32 $0x10;
	[sflag:s14] =	ssyncset.done $0x0  }
.LBB2_4:
0x3f: {  	s24 =	sadd.s32 s22, s13  }
0x40: {  	[sflag:s14] =	ssyncadd.s32 $0xFFFFC000;
	s25 =	smov.u32 s23;
	s26 =	sadd.s32 $0x10, s23  }
0x41: {  	[tilespmem:s15], [sflag:$0x2] =	stream.linear.gather [hbm4b:s24+s3], $0x80, $0x38;
	[tilespmem:$0x18100] =	vst v63  }
0x42: {  	p0 =	sne.s32 s23, $0x4E0;
	_ =	swait.ge [sflag:s14], $0x80  }
0x43: {  	[sflag:s14] =	ssyncset.done $0x0  }
0x44: {  	s23 =	sadd.s32 s22, s12;
	s22 =	smov.u32 s25;
	[sflag:s14] =	ssyncadd.s32 $0xFFFFFF80  }
0x45: {  	[tilespmem:s16], [sflag:$0x2] =	stream.linear.gather [hbm4b:s23+s3], $0x80, $0x38;
	[tilespmem:$0x18100] =	vst v63  }
0x46: {  	_ =	swait.ge [sflag:s14], $0x80  }
0x47: {  	[sflag:s14] =	ssyncset.done $0x0  }
0x48: {  	[sflag:s14] =	ssyncadd.s32 $0xFFFFFF80  }
0x49: {  	[tilespmem:s3], [sflag:$0x1] =	stream.indirect.gather [hbm4b:s4+s17], $0x80, s15, s17, $0xb8;
	[tilespmem:$0x18100] =	vst v63  }
0x4a: {  	_ =	swait.ge [sflag:s18], $0x4000  }
.Ltmp1:
0x4b: {  	[sflag:s18] =	ssyncset.done $0x0;
	(pc) =	sbr.rel @p0 .LBB2_4-.Ltmp1, $4  }
0x4c: {  	[sflag:s18] =	ssyncadd.s32 $0xFFFFC000  }
0x4d: {  	[spmem:s1] =	stream.indirect.scatter.add.f32 [tilespmem:s3], [sflag:$0x2], $0x80, s16, s17, $0xb8;
	[tilespmem:$0x18100] =	vst v63  }
0x4e: {  	_ =	swait.ge [sflag:s14], $0x4000  }
0x4f: {  	s23 =	smov.u32 s26;
	[sflag:s14] =	ssyncset.done $0x0  }
0x50: {  	s23 =	sadd.s32 s22, s13;
	[sflag:s14] =	ssyncadd.s32 $0xFFFFC000  }
0x51: {  	[tilespmem:s15], [sflag:$0x2] =	stream.linear.gather [hbm4b:s23+s3], $0x80, $0x38;
	[tilespmem:$0x18100] =	vst v63  }
0x52: {  	_ =	swait.ge [sflag:s14], $0x80  }
0x53: {  	[sflag:s14] =	ssyncset.done $0x0  }
0x54: {  	s31 =	sadd.s32 s22, s12;
	[sflag:s14] =	ssyncadd.s32 $0xFFFFFF80  }
0x55: {  	[tilespmem:s16], [sflag:$0x2] =	stream.linear.gather [hbm4b:s31+s3], $0x80, $0x38;
	[tilespmem:$0x18100] =	vst v63  }
0x56: {  	_ =	swait.ge [sflag:s14], $0x80  }
0x57: {  	[sflag:s14] =	ssyncset.done $0x0  }
0x58: {  	[sflag:s14] =	ssyncadd.s32 $0xFFFFFF80  }
0x59: {  	[tilespmem:s3], [sflag:$0x1] =	stream.indirect.gather [hbm4b:s4+s17], $0x80, s15, s17, $0xb8;
	[tilespmem:$0x18100] =	vst v63  }
0x5a: {  	_ =	swait.ge [sflag:s18], $0x4000  }
0x5b: {  	[sflag:s18] =	ssyncset.done $0x0  }
0x5c: {  	[sflag:s18] =	ssyncadd.s32 $0xFFFFC000  }
0x5d: {  	[spmem:s1] =	stream.indirect.scatter.add.f32 [tilespmem:s3], [sflag:$0x2], $0x80, s16, s17, $0xb8;
	[tilespmem:$0x18100] =	vst v63  }
0x5e: {  	_ =	swait.ge [sflag:s14], $0x4000  }
0x5f: {  	s21 =	sadd.s32 $0x1, s21;
	[sflag:s14] =	ssyncset.done $0x0  }
0x60: {  	p0 =	sne.s32 s21, s7;
	[sflag:s14] =	ssyncadd.s32 $0xFFFFC000  }
.Ltmp2:
0x61: {  	[bflag:$0x0] =	sbarrier.arrive $0xFFFF;
	(pc) =	sbr.rel @p0 .LBB2_1-.Ltmp2, $4  }
0x62: {  	[hbm:s6], [sflag:s19] =	dma.local [spmem:s20], $0x2800  }
0x63: {  	_ =	swait.ge [sflag:s14], $0x2800  }
0x64: {  	[sflag:s14] =	ssyncset.done $0x0  }
0x65: {  	[sflag:s14] =	ssyncadd.s32 $0xFFFFD800  }
0x66: {  	_ =	sfence.sel $0x180000  }
0x67: {  	[bflag:$0x0] =	sbarrier.arrive $0xFFFF  }
0x68: {  	p0 =	sne.s32 s2, $0x0;
	_ =	strace $0x90000050  }
0x69: {  	s0 =	sadd.s32 @!p0 $0x100000, s0;
	[bflag:$0x2] =	sbarrier.arrive $0xFFFF  }
0x6a: {  	[sflag:s0] =	ssyncadd.tile.s32 @!p0 $0x1;
	_ =	shalt  }
.Lfunc_end2:
_tile_overlayer_lowered:
.L_overlay_start_2:
0x6b: {  	(tag) =	ssettag $0x2  }
0x6c: {  	s0 =	rddreg [dreg:$0x0];
	s2 =	stileid.u32  }
0x6d: {  	s1 =	rddreg [dreg:$0x1];
	p0 =	sne.s32 s2, $0x0  }
0x6e: {  	s3 =	rddreg [dreg:$0x2];
	[bflag:$0x3] =	sbarrier.arrive $0xFFFF;
	s2 =	simm.s32 @!p0 $0x1C02  }
0x6f: {  	[timem:s3], [sflag:s2] =	dma.local @!p0 [hbm:s0], s1  }
0x70: {  	s0 =	simm.s32 @!p0 $0x2  }
0x71: {  	_ =	swait.ge @!p0 [sflag:s0], s1  }
0x72: {  	s1 =	ssub.s32 @!p0 $0x0, s1;
	[sflag:s0] =	ssyncset.done @!p0 $0x0  }
0x73: {  	[sflag:s0] =	ssyncadd.s32 @!p0 s1  }
0x74: {  	[bflag:$0x3] =	sbarrier.arrive $0xFFFF  }
0x75: {  	_ =	shalt  }

</sc_bundles>
